<compile_context>
chip_gen: v7x
topology: tpu7x:2x2x1
jax: 0.10.2.dev20260603
libtpu: 0.0.44.dev20260713+nightly
codegen_flags: <defaults>
</compile_context>

<pallas_src>
import functools

import jax
import jax.numpy as jnp
from jax import lax
from jax.experimental import pallas as pl
from jax.experimental.pallas import tpu as pltpu
from jax.experimental.pallas import tpu_sc as plsc

SEQ = 2048
D_MODEL = 768
D_FF = 1024
NUM_EXPERTS = 64
BT = 128
L = 16
NW = 32
TPW = SEQ // NW
VPW = TPW // L
NVREG = SEQ // L

_SC_MESH = plsc.VectorSubcoreMesh(core_axis_name="c", subcore_axis_name="s")


def _dispatch_body(idx_hbm, x_hbm, w_hbm,
                   xs_hbm, ws_hbm, dest_hbm, counts_hbm, offs_hbm,
                   idx_all, ev, hist, offs_v, rank_own, dest_v, rows_v, wv,
                   sem):
    wid = lax.axis_index("s") * 2 + lax.axis_index("c")
    lane = lax.iota(jnp.int32, 16)

    pltpu.sync_copy(idx_hbm, idx_all)
    for kk in range(NUM_EXPERTS // L):
        hist[pl.ds(kk * L, L)] = jnp.zeros((L,), jnp.int32)

    own0 = wid * VPW

    def body(k, _):
        e_k = idx_all[pl.ds(k * L, L)]
        ev[pl.ds(L, L)] = e_k
        rank = jnp.zeros((L,), jnp.int32)
        tot = jnp.zeros((L,), jnp.int32)
        for j in range(L):
            bj = plsc.load_gather(ev, [jnp.full((L,), L + j, jnp.int32)])
            m = e_k == bj
            rank = rank + jnp.where(m & (lane > j), 1, 0)
            tot = tot + jnp.where(m, 1, 0)
        base_e = plsc.load_gather(hist, [e_k])

        @pl.when((k >= own0) & (k < own0 + VPW))
        def _():
            rank_own[pl.ds((k - own0) * L, L)] = base_e + rank

        plsc.store_scatter(hist, [e_k], base_e + tot)
        return 0

    lax.fori_loop(0, NVREG, body, 0)

    carry = jnp.int32(0)
    for kk in range(NUM_EXPERTS // L):
        c = hist[pl.ds(kk * L, L)]
        offs_v[pl.ds(kk * L, L)] = plsc.cumsum(c) - c + carry
        carry = carry + jnp.sum(c)

    for kk in range(VPW):
        e_k = idx_all[pl.ds((own0 + kk) * L, L)]
        off_e = plsc.load_gather(offs_v, [e_k])
        dest_v[pl.ds(kk * L, L)] = off_e + rank_own[pl.ds(kk * L, L)]

    base = wid * TPW
    pltpu.sync_copy(dest_v, dest_hbm.at[pl.ds(base, TPW)])
    pltpu.sync_copy(x_hbm.at[pl.ds(base, TPW)], rows_v)
    pltpu.async_copy(rows_v, xs_hbm.at[dest_v], sem).wait()
    pltpu.sync_copy(w_hbm.at[pl.ds(base, TPW)], wv)
    pltpu.async_copy(wv, ws_hbm.at[dest_v], sem).wait()

    @pl.when(wid == 0)
    def _():
        pltpu.sync_copy(hist, counts_hbm)
        pltpu.sync_copy(offs_v, offs_hbm)


@functools.partial(
    pl.kernel,
    mesh=_SC_MESH,
    out_type=[
        jax.ShapeDtypeStruct((SEQ, D_MODEL), jnp.float32),
        jax.ShapeDtypeStruct((SEQ,), jnp.float32),
        jax.ShapeDtypeStruct((SEQ,), jnp.int32),
        jax.ShapeDtypeStruct((NUM_EXPERTS,), jnp.int32),
        jax.ShapeDtypeStruct((NUM_EXPERTS,), jnp.int32),
    ],
    scratch_types=[
        pltpu.VMEM((SEQ,), jnp.int32),
        pltpu.VMEM((2 * L,), jnp.int32),
        pltpu.VMEM((NUM_EXPERTS,), jnp.int32),
        pltpu.VMEM((NUM_EXPERTS,), jnp.int32),
        pltpu.VMEM((TPW,), jnp.int32),
        pltpu.VMEM((TPW,), jnp.int32),
        pltpu.VMEM((TPW, D_MODEL), jnp.float32),
        pltpu.VMEM((TPW,), jnp.float32),
        pltpu.SemaphoreType.DMA,
    ],
    compiler_params=pltpu.CompilerParams(needs_layout_passes=False),
)
def _sc_dispatch(idx_hbm, x_hbm, w_hbm, *rest):
    _dispatch_body(idx_hbm, x_hbm, w_hbm, *rest)


@functools.partial(
    pl.kernel,
    mesh=_SC_MESH,
    out_type=jax.ShapeDtypeStruct((SEQ, D_MODEL), jnp.float32),
    scratch_types=[
        pltpu.VMEM((TPW,), jnp.int32),
        pltpu.VMEM((TPW, D_MODEL), jnp.float32),
        pltpu.SemaphoreType.DMA,
    ],
    compiler_params=pltpu.CompilerParams(needs_layout_passes=False),
)
def _sc_combine(ys_hbm, dest_hbm, out_hbm, dest_v, rows_v, sem):
    wid = lax.axis_index("s") * 2 + lax.axis_index("c")
    base = wid * TPW
    pltpu.sync_copy(dest_hbm.at[pl.ds(base, TPW)], dest_v)
    pltpu.async_copy(ys_hbm.at[dest_v], rows_v, sem).wait()
    pltpu.sync_copy(rows_v, out_hbm.at[pl.ds(base, TPW)])


def _mlp_kernel(offs_ref, cnts_ref, xs_ref, ws_ref, w1_ref, w2_ref, ys_ref):
    e = pl.program_id(0)
    start = offs_ref[e]
    cnt = cnts_ref[e]
    t0 = start // BT
    t1 = lax.div(start + cnt + BT - 1, BT)
    w1e = w1_ref[0]
    w2e = w2_ref[0]

    def body(j, _):
        s = (t0 + j) * BT
        xb = xs_ref[pl.ds(s, BT), :]
        h = jnp.dot(xb, w1e, preferred_element_type=jnp.float32)
        h = h * jax.nn.sigmoid(h)
        yb = jnp.dot(h, w2e, preferred_element_type=jnp.float32)
        yb = yb * ws_ref[pl.ds(s, BT), :]
        rid = s + lax.broadcasted_iota(jnp.int32, (BT, 1), 0)
        mask = (rid >= start) & (rid < start + cnt)
        ys_ref[pl.ds(s, BT), :] = jnp.where(mask, yb, ys_ref[pl.ds(s, BT), :])
        return 0

    lax.fori_loop(0, t1 - t0, body, 0)


def _grouped_mlp(xs, ws, offsets, counts, w1, w2):
    grid_spec = pltpu.PrefetchScalarGridSpec(
        num_scalar_prefetch=2,
        grid=(NUM_EXPERTS,),
        in_specs=[
            pl.BlockSpec((SEQ, D_MODEL), lambda e, o, c: (0, 0)),
            pl.BlockSpec((SEQ, 1), lambda e, o, c: (0, 0)),
            pl.BlockSpec((1, D_MODEL, D_FF), lambda e, o, c: (e, 0, 0)),
            pl.BlockSpec((1, D_FF, D_MODEL), lambda e, o, c: (e, 0, 0)),
        ],
        out_specs=pl.BlockSpec((SEQ, D_MODEL), lambda e, o, c: (0, 0)),
    )
    return pl.pallas_call(
        _mlp_kernel,
        grid_spec=grid_spec,
        out_shape=jax.ShapeDtypeStruct((SEQ, D_MODEL), jnp.float32),
        compiler_params=pltpu.CompilerParams(
            dimension_semantics=("arbitrary",),
        ),
    )(offsets, counts, xs, ws, w1, w2)


def kernel(x, expert_weights, expert_indices, w1, w2):
    flat_x = x.reshape(SEQ, D_MODEL)
    idx = expert_indices.reshape(SEQ).astype(jnp.int32)
    wflat = expert_weights.reshape(SEQ)

    xs, ws, dest, counts, offsets = _sc_dispatch(idx, flat_x, wflat)
    ys = _grouped_mlp(xs, ws[:, None], offsets, counts, w1, w2)
    out_flat = _sc_combine(ys, dest)
    return out_flat.reshape(x.shape), counts

# --- scband reference (transcript-rebuilt; emitter-appended) ---
"""Pipeline reference for scband-parallel-mlpbase-56392920596546 (READ-ONLY COPY).

The authoritative reference and input builder live on the scoring server;
editing this copy changes nothing except your own understanding.
"""

import jax, jax.numpy as jnp
import numpy as np

D_MODEL = 768
D_FF = 1024
NUM_EXPERTS = 64
TOP_K = 1
SEQ = 2048


def setup_inputs(seed: int = 0) -> dict:
    key = jax.random.key(seed)
    k1, k2, k3, k4, k5 = jax.random.split(key, 5)
    x = jax.random.normal(k1, (1, SEQ, D_MODEL), dtype=jnp.float32)
    expert_weights = jax.random.uniform(k2, (SEQ, TOP_K), dtype=jnp.float32)
    expert_indices = jax.random.randint(k3, (SEQ, TOP_K), 0, NUM_EXPERTS)
    # learned per-expert MLP parameters (MoEMLPBase)
    w1 = jax.random.normal(k4, (NUM_EXPERTS, D_MODEL, D_FF), dtype=jnp.float32) * 0.02
    w2 = jax.random.normal(k5, (NUM_EXPERTS, D_FF, D_MODEL), dtype=jnp.float32) * 0.02
    return {"x": x, "expert_weights": expert_weights, "expert_indices": expert_indices, "w1": w1, "w2": w2}


def _forward_once(x, expert_weights, w1, w2, expert_indices):
    # Faithful to ParallelMLPBase.forward -> forward_once with indices_and_bins:
    # with TOP_K = 1 (static, from expert_indices.shape[-1]) each token is routed
    # to exactly one expert, so sorting/binning + grouped matmul + scatter-add is
    # equivalent to per-expert dense MLP with per-token selection of the routed
    # expert's output scaled by the router weight.
    in_shape = x.shape
    d = x.shape[-1]
    flat_x = x.reshape(-1, d)
    idx = expert_indices.reshape(-1)  # traced int routing metadata, shape (SEQ * TOP_K,)
    wflat = expert_weights.reshape(-1)
    counts = jnp.bincount(idx, length=NUM_EXPERTS).astype(jnp.int32)  # batch_size_per_expert
    out = jnp.zeros_like(flat_x)
    for e in range(NUM_EXPERTS):
        h = jax.nn.silu(flat_x @ w1[e])
        ye = (h @ w2[e]) * wflat[:, None]
        out = jnp.where((idx == e)[:, None], ye, out)
    return out.reshape(in_shape), counts


def reference(x, expert_weights, expert_indices, w1, w2):
    return _forward_once(x, expert_weights, w1, w2, expert_indices)

if __name__ == "__main__":
    import jax
    _d = setup_inputs()
    print(jax.jit(kernel)(*tuple(_d.values())))

</pallas_src>

<mosaic_0001>
#map = affine_map<(d0, d1) -> (0)>
#map1 = affine_map<(d0, d1) -> (0, 0)>
module attributes {stable_mosaic.version = 14 : i64} {
  func.func @_sc_dispatch(%arg0: i32, %arg1: i32, %arg2: memref<2048xi32, #tpu.memory_space<hbm>>, %arg3: memref<2048x768xf32, #tpu.memory_space<hbm>>, %arg4: memref<2048xf32, #tpu.memory_space<hbm>>, %arg5: memref<2048x768xf32, #tpu.memory_space<hbm>>, %arg6: memref<2048xf32, #tpu.memory_space<hbm>>, %arg7: memref<2048xi32, #tpu.memory_space<hbm>>, %arg8: memref<64xi32, #tpu.memory_space<hbm>>, %arg9: memref<64xi32, #tpu.memory_space<hbm>>, %arg10: memref<2048xi32, #tpu.memory_space<vmem>>, %arg11: memref<32xi32, #tpu.memory_space<vmem>>, %arg12: memref<64xi32, #tpu.memory_space<vmem>>, %arg13: memref<64xi32, #tpu.memory_space<vmem>>, %arg14: memref<64xi32, #tpu.memory_space<vmem>>, %arg15: memref<64xi32, #tpu.memory_space<vmem>>, %arg16: memref<64x768xf32, #tpu.memory_space<vmem>>, %arg17: memref<64xf32, #tpu.memory_space<vmem>>, %arg18: memref<!tpu.dma_semaphore, #tpu.memory_space<semaphore_mem>>) attributes {dimension_semantics = [#tpu.dimension_semantics<core_parallel>, #tpu.dimension_semantics<subcore_parallel>], iteration_bounds = array<i64: 2, 16>, scalar_prefetch = 0 : i64, scratch_operands = 9 : i64, tpu.core_type = #tpu.core_type<sc_vector_subcore>, window_params = [{transform_indices = #map}, {transform_indices = #map1}, {transform_indices = #map}, {transform_indices = #map1}, {transform_indices = #map}, {transform_indices = #map}, {transform_indices = #map}, {transform_indices = #map}]} {
    %mul3A = arith.constant 2 : i32
    %mul3A_0 = arith.muli %arg1, %mul3A : i32
    %add3A = arith.addi %mul3A_0, %arg0 : i32
    %iota3A = tpu.iota {dimensions = array<i32: 0>} : vector<16xi32>
    "tpu.region"() ({
      %run_scoped3A = tpu.sem_alloc : memref<!tpu.dma_semaphore, #tpu.memory_space<semaphore_mem>>
      tpu.enqueue_dma source(%arg2 : memref<2048xi32, #tpu.memory_space<hbm>>) target(%arg10 : memref<2048xi32, #tpu.memory_space<vmem>>) target_semaphore(%run_scoped3A : memref<!tpu.dma_semaphore, #tpu.memory_space<semaphore_mem>>)
      tpu.wait_dma2 semaphore(%run_scoped3A : memref<!tpu.dma_semaphore, #tpu.memory_space<semaphore_mem>>) src(%arg2 : memref<2048xi32, #tpu.memory_space<hbm>>) dst(%arg10 : memref<2048xi32, #tpu.memory_space<vmem>>)
      tpu.yield
    }) : () -> ()
    %broadcast_in_dim3A = arith.constant 0 : i32
    %broadcast_in_dim3A_1 = vector.broadcast %broadcast_in_dim3A : i32 to vector<16xi32>
    %swap3A = arith.constant 0 : index
    %swap3A_2 = tpu.vector_load %arg12[%swap3A] {strides = array<i32>} : memref<64xi32, #tpu.memory_space<vmem>>, vector<16xi32>,
    tpu.vector_store %arg12[%swap3A], %broadcast_in_dim3A_1 {strides = array<i32>} : memref<64xi32, #tpu.memory_space<vmem>>, vector<16xi32>,
    %broadcast_in_dim3A_3 = arith.constant 0 : i32
    %broadcast_in_dim3A_4 = vector.broadcast %broadcast_in_dim3A_3 : i32 to vector<16xi32>
    %swap3A_5 = arith.constant 16 : index
    %swap3A_6 = tpu.vector_load %arg12[%swap3A_5] {strides = array<i32>} : memref<64xi32, #tpu.memory_space<vmem>>, vector<16xi32>,
    tpu.vector_store %arg12[%swap3A_5], %broadcast_in_dim3A_4 {strides = array<i32>} : memref<64xi32, #tpu.memory_space<vmem>>, vector<16xi32>,
    %broadcast_in_dim3A_7 = arith.constant 0 : i32
    %broadcast_in_dim3A_8 = vector.broadcast %broadcast_in_dim3A_7 : i32 to vector<16xi32>
    %swap3A_9 = arith.constant 32 : index
    %swap3A_10 = tpu.vector_load %arg12[%swap3A_9] {strides = array<i32>} : memref<64xi32, #tpu.memory_space<vmem>>, vector<16xi32>,
    tpu.vector_store %arg12[%swap3A_9], %broadcast_in_dim3A_8 {strides = array<i32>} : memref<64xi32, #tpu.memory_space<vmem>>, vector<16xi32>,
    %broadcast_in_dim3A_11 = arith.constant 0 : i32
    %broadcast_in_dim3A_12 = vector.broadcast %broadcast_in_dim3A_11 : i32 to vector<16xi32>
    %swap3A_13 = arith.constant 48 : index
    %swap3A_14 = tpu.vector_load %arg12[%swap3A_13] {strides = array<i32>} : memref<64xi32, #tpu.memory_space<vmem>>, vector<16xi32>,
    tpu.vector_store %arg12[%swap3A_13], %broadcast_in_dim3A_12 {strides = array<i32>} : memref<64xi32, #tpu.memory_space<vmem>>, vector<16xi32>,
    %mul3A_15 = arith.constant 4 : i32
    %mul3A_16 = arith.muli %add3A, %mul3A_15 : i32
    %scan3A = arith.constant 0 : i32
    %scan3A_17 = arith.constant 0 : i32
    %scan3A_18 = arith.constant 128 : i32
    %scan3A_19 = arith.addi %scan3A_17, %scan3A_18 : i32
    %scan3A_20 = arith.constant 1 : i32
    %scan3A_21 = scf.for %scan3A_140 = %scan3A_17 to %scan3A_19 step %scan3A_20 iter_args(%scan3A_141 = %scan3A) -> (i32)  : i32 {
      %mul3A_142 = arith.constant 16 : i32
      %mul3A_143 = arith.muli %scan3A_140, %mul3A_142 : i32
      %get3A_144 = arith.index_cast %mul3A_143 : i32 to index
      %get3A_145 = tpu.vector_load %arg10[%get3A_144] {strides = array<i32>} : memref<2048xi32, #tpu.memory_space<vmem>>, vector<16xi32>,
      %swap3A_146 = arith.constant 16 : index
      %swap3A_147 = tpu.vector_load %arg11[%swap3A_146] {strides = array<i32>} : memref<32xi32, #tpu.memory_space<vmem>>, vector<16xi32>,
      tpu.vector_store %arg11[%swap3A_146], %get3A_145 {strides = array<i32>} : memref<32xi32, #tpu.memory_space<vmem>>, vector<16xi32>,
      %broadcast_in_dim3A_148 = arith.constant 0 : i32
      %broadcast_in_dim3A_149 = vector.broadcast %broadcast_in_dim3A_148 : i32 to vector<16xi32>
      %broadcast_in_dim3A_150 = arith.constant 0 : i32
      %broadcast_in_dim3A_151 = vector.broadcast %broadcast_in_dim3A_150 : i32 to vector<16xi32>
      %broadcast_in_dim3A_152 = arith.constant 16 : i32
      %broadcast_in_dim3A_153 = vector.broadcast %broadcast_in_dim3A_152 : i32 to vector<16xi32>
      %gather3A_154 = tpu.vector_load_idx %arg11[%broadcast_in_dim3A_153] : memref<32xi32, #tpu.memory_space<vmem>>[vector<16xi32>], vector<16xi32>,
      %eq3A_155 = arith.cmpi eq, %get3A_145, %gather3A_154 : vector<16xi32>
      %gt3A = arith.constant 0 : i32
      %gt3A_156 = vector.broadcast %gt3A : i32 to vector<16xi32>
      %gt3A_157 = arith.cmpi sgt, %iota3A, %gt3A_156 : vector<16xi32>
      %and3A = arith.andi %eq3A_155, %gt3A_157 : vector<16xi1>
      %jit3A = arith.constant 1 : i32
      %jit3A_158 = arith.constant 0 : i32
      %broadcast_in_dim3A_159 = vector.broadcast %jit3A : i32 to vector<16xi32>
      %broadcast_in_dim3A_160 = vector.broadcast %jit3A_158 : i32 to vector<16xi32>
      %select_n3A = arith.select %and3A, %broadcast_in_dim3A_159, %broadcast_in_dim3A_160 : vector<16xi1>, vector<16xi32>
      %add3A_161 = arith.addi %broadcast_in_dim3A_149, %select_n3A : vector<16xi32>
      %jit3A_162 = arith.constant 1 : i32
      %jit3A_163 = arith.constant 0 : i32
      %broadcast_in_dim3A_164 = vector.broadcast %jit3A_162 : i32 to vector<16xi32>
      %broadcast_in_dim3A_165 = vector.broadcast %jit3A_163 : i32 to vector<16xi32>
      %select_n3A_166 = arith.select %eq3A_155, %broadcast_in_dim3A_164, %broadcast_in_dim3A_165 : vector<16xi1>, vector<16xi32>
      %add3A_167 = arith.addi %broadcast_in_dim3A_151, %select_n3A_166 : vector<16xi32>
      %broadcast_in_dim3A_168 = arith.constant 17 : i32
      %broadcast_in_dim3A_169 = vector.broadcast %broadcast_in_dim3A_168 : i32 to vector<16xi32>
      %gather3A_170 = tpu.vector_load_idx %arg11[%broadcast_in_dim3A_169] : memref<32xi32, #tpu.memory_space<vmem>>[vector<16xi32>], vector<16xi32>,
      %eq3A_171 = arith.cmpi eq, %get3A_145, %gather3A_170 : vector<16xi32>
      %gt3A_172 = arith.constant 1 : i32
      %gt3A_173 = vector.broadcast %gt3A_172 : i32 to vector<16xi32>
      %gt3A_174 = arith.cmpi sgt, %iota3A, %gt3A_173 : vector<16xi32>
      %and3A_175 = arith.andi %eq3A_171, %gt3A_174 : vector<16xi1>
      %jit3A_176 = arith.constant 1 : i32
      %jit3A_177 = arith.constant 0 : i32
      %broadcast_in_dim3A_178 = vector.broadcast %jit3A_176 : i32 to vector<16xi32>
      %broadcast_in_dim3A_179 = vector.broadcast %jit3A_177 : i32 to vector<16xi32>
      %select_n3A_180 = arith.select %and3A_175, %broadcast_in_dim3A_178, %broadcast_in_dim3A_179 : vector<16xi1>, vector<16xi32>
      %add3A_181 = arith.addi %add3A_161, %select_n3A_180 : vector<16xi32>
      %jit3A_182 = arith.constant 1 : i32
      %jit3A_183 = arith.constant 0 : i32
      %broadcast_in_dim3A_184 = vector.broadcast %jit3A_182 : i32 to vector<16xi32>
      %broadcast_in_dim3A_185 = vector.broadcast %jit3A_183 : i32 to vector<16xi32>
      %select_n3A_186 = arith.select %eq3A_171, %broadcast_in_dim3A_184, %broadcast_in_dim3A_185 : vector<16xi1>, vector<16xi32>
      %add3A_187 = arith.addi %add3A_167, %select_n3A_186 : vector<16xi32>
      %broadcast_in_dim3A_188 = arith.constant 18 : i32
      %broadcast_in_dim3A_189 = vector.broadcast %broadcast_in_dim3A_188 : i32 to vector<16xi32>
      %gather3A_190 = tpu.vector_load_idx %arg11[%broadcast_in_dim3A_189] : memref<32xi32, #tpu.memory_space<vmem>>[vector<16xi32>], vector<16xi32>,
      %eq3A_191 = arith.cmpi eq, %get3A_145, %gather3A_190 : vector<16xi32>
      %gt3A_192 = arith.constant 2 : i32
      %gt3A_193 = vector.broadcast %gt3A_192 : i32 to vector<16xi32>
      %gt3A_194 = arith.cmpi sgt, %iota3A, %gt3A_193 : vector<16xi32>
      %and3A_195 = arith.andi %eq3A_191, %gt3A_194 : vector<16xi1>
      %jit3A_196 = arith.constant 1 : i32
      %jit3A_197 = arith.constant 0 : i32
      %broadcast_in_dim3A_198 = vector.broadcast %jit3A_196 : i32 to vector<16xi32>
      %broadcast_in_dim3A_199 = vector.broadcast %jit3A_197 : i32 to vector<16xi32>
      %select_n3A_200 = arith.select %and3A_195, %broadcast_in_dim3A_198, %broadcast_in_dim3A_199 : vector<16xi1>, vector<16xi32>
      %add3A_201 = arith.addi %add3A_181, %select_n3A_200 : vector<16xi32>
      %jit3A_202 = arith.constant 1 : i32
      %jit3A_203 = arith.constant 0 : i32
      %broadcast_in_dim3A_204 = vector.broadcast %jit3A_202 : i32 to vector<16xi32>
      %broadcast_in_dim3A_205 = vector.broadcast %jit3A_203 : i32 to vector<16xi32>
      %select_n3A_206 = arith.select %eq3A_191, %broadcast_in_dim3A_204, %broadcast_in_dim3A_205 : vector<16xi1>, vector<16xi32>
      %add3A_207 = arith.addi %add3A_187, %select_n3A_206 : vector<16xi32>
      %broadcast_in_dim3A_208 = arith.constant 19 : i32
      %broadcast_in_dim3A_209 = vector.broadcast %broadcast_in_dim3A_208 : i32 to vector<16xi32>
      %gather3A_210 = tpu.vector_load_idx %arg11[%broadcast_in_dim3A_209] : memref<32xi32, #tpu.memory_space<vmem>>[vector<16xi32>], vector<16xi32>,
      %eq3A_211 = arith.cmpi eq, %get3A_145, %gather3A_210 : vector<16xi32>
      %gt3A_212 = arith.constant 3 : i32
      %gt3A_213 = vector.broadcast %gt3A_212 : i32 to vector<16xi32>
      %gt3A_214 = arith.cmpi sgt, %iota3A, %gt3A_213 : vector<16xi32>
      %and3A_215 = arith.andi %eq3A_211, %gt3A_214 : vector<16xi1>
      %jit3A_216 = arith.constant 1 : i32
      %jit3A_217 = arith.constant 0 : i32
      %broadcast_in_dim3A_218 = vector.broadcast %jit3A_216 : i32 to vector<16xi32>
      %broadcast_in_dim3A_219 = vector.broadcast %jit3A_217 : i32 to vector<16xi32>
      %select_n3A_220 = arith.select %and3A_215, %broadcast_in_dim3A_218, %broadcast_in_dim3A_219 : vector<16xi1>, vector<16xi32>
      %add3A_221 = arith.addi %add3A_201, %select_n3A_220 : vector<16xi32>
      %jit3A_222 = arith.constant 1 : i32
      %jit3A_223 = arith.constant 0 : i32
      %broadcast_in_dim3A_224 = vector.broadcast %jit3A_222 : i32 to vector<16xi32>
      %broadcast_in_dim3A_225 = vector.broadcast %jit3A_223 : i32 to vector<16xi32>
      %select_n3A_226 = arith.select %eq3A_211, %broadcast_in_dim3A_224, %broadcast_in_dim3A_225 : vector<16xi1>, vector<16xi32>
      %add3A_227 = arith.addi %add3A_207, %select_n3A_226 : vector<16xi32>
      %broadcast_in_dim3A_228 = arith.constant 20 : i32
      %broadcast_in_dim3A_229 = vector.broadcast %broadcast_in_dim3A_228 : i32 to vector<16xi32>
      %gather3A_230 = tpu.vector_load_idx %arg11[%broadcast_in_dim3A_229] : memref<32xi32, #tpu.memory_space<vmem>>[vector<16xi32>], vector<16xi32>,
      %eq3A_231 = arith.cmpi eq, %get3A_145, %gather3A_230 : vector<16xi32>
      %gt3A_232 = arith.constant 4 : i32
      %gt3A_233 = vector.broadcast %gt3A_232 : i32 to vector<16xi32>
      %gt3A_234 = arith.cmpi sgt, %iota3A, %gt3A_233 : vector<16xi32>
      %and3A_235 = arith.andi %eq3A_231, %gt3A_234 : vector<16xi1>
      %jit3A_236 = arith.constant 1 : i32
      %jit3A_237 = arith.constant 0 : i32
      %broadcast_in_dim3A_238 = vector.broadcast %jit3A_236 : i32 to vector<16xi32>
      %broadcast_in_dim3A_239 = vector.broadcast %jit3A_237 : i32 to vector<16xi32>
      %select_n3A_240 = arith.select %and3A_235, %broadcast_in_dim3A_238, %broadcast_in_dim3A_239 : vector<16xi1>, vector<16xi32>
      %add3A_241 = arith.addi %add3A_221, %select_n3A_240 : vector<16xi32>
      %jit3A_242 = arith.constant 1 : i32
      %jit3A_243 = arith.constant 0 : i32
      %broadcast_in_dim3A_244 = vector.broadcast %jit3A_242 : i32 to vector<16xi32>
      %broadcast_in_dim3A_245 = vector.broadcast %jit3A_243 : i32 to vector<16xi32>
      %select_n3A_246 = arith.select %eq3A_231, %broadcast_in_dim3A_244, %broadcast_in_dim3A_245 : vector<16xi1>, vector<16xi32>
      %add3A_247 = arith.addi %add3A_227, %select_n3A_246 : vector<16xi32>
      %broadcast_in_dim3A_248 = arith.constant 21 : i32
      %broadcast_in_dim3A_249 = vector.broadcast %broadcast_in_dim3A_248 : i32 to vector<16xi32>
      %gather3A_250 = tpu.vector_load_idx %arg11[%broadcast_in_dim3A_249] : memref<32xi32, #tpu.memory_space<vmem>>[vector<16xi32>], vector<16xi32>,
      %eq3A_251 = arith.cmpi eq, %get3A_145, %gather3A_250 : vector<16xi32>
      %gt3A_252 = arith.constant 5 : i32
      %gt3A_253 = vector.broadcast %gt3A_252 : i32 to vector<16xi32>
      %gt3A_254 = arith.cmpi sgt, %iota3A, %gt3A_253 : vector<16xi32>
      %and3A_255 = arith.andi %eq3A_251, %gt3A_254 : vector<16xi1>
      %jit3A_256 = arith.constant 1 : i32
      %jit3A_257 = arith.constant 0 : i32
      %broadcast_in_dim3A_258 = vector.broadcast %jit3A_256 : i32 to vector<16xi32>
      %broadcast_in_dim3A_259 = vector.broadcast %jit3A_257 : i32 to vector<16xi32>
      %select_n3A_260 = arith.select %and3A_255, %broadcast_in_dim3A_258, %broadcast_in_dim3A_259 : vector<16xi1>, vector<16xi32>
      %add3A_261 = arith.addi %add3A_241, %select_n3A_260 : vector<16xi32>
      %jit3A_262 = arith.constant 1 : i32
      %jit3A_263 = arith.constant 0 : i32
      %broadcast_in_dim3A_264 = vector.broadcast %jit3A_262 : i32 to vector<16xi32>
      %broadcast_in_dim3A_265 = vector.broadcast %jit3A_263 : i32 to vector<16xi32>
      %select_n3A_266 = arith.select %eq3A_251, %broadcast_in_dim3A_264, %broadcast_in_dim3A_265 : vector<16xi1>, vector<16xi32>
      %add3A_267 = arith.addi %add3A_247, %select_n3A_266 : vector<16xi32>
      %broadcast_in_dim3A_268 = arith.constant 22 : i32
      %broadcast_in_dim3A_269 = vector.broadcast %broadcast_in_dim3A_268 : i32 to vector<16xi32>
      %gather3A_270 = tpu.vector_load_idx %arg11[%broadcast_in_dim3A_269] : memref<32xi32, #tpu.memory_space<vmem>>[vector<16xi32>], vector<16xi32>,
      %eq3A_271 = arith.cmpi eq, %get3A_145, %gather3A_270 : vector<16xi32>
      %gt3A_272 = arith.constant 6 : i32
      %gt3A_273 = vector.broadcast %gt3A_272 : i32 to vector<16xi32>
      %gt3A_274 = arith.cmpi sgt, %iota3A, %gt3A_273 : vector<16xi32>
      %and3A_275 = arith.andi %eq3A_271, %gt3A_274 : vector<16xi1>
      %jit3A_276 = arith.constant 1 : i32
      %jit3A_277 = arith.constant 0 : i32
      %broadcast_in_dim3A_278 = vector.broadcast %jit3A_276 : i32 to vector<16xi32>
      %broadcast_in_dim3A_279 = vector.broadcast %jit3A_277 : i32 to vector<16xi32>
      %select_n3A_280 = arith.select %and3A_275, %broadcast_in_dim3A_278, %broadcast_in_dim3A_279 : vector<16xi1>, vector<16xi32>
      %add3A_281 = arith.addi %add3A_261, %select_n3A_280 : vector<16xi32>
      %jit3A_282 = arith.constant 1 : i32
      %jit3A_283 = arith.constant 0 : i32
      %broadcast_in_dim3A_284 = vector.broadcast %jit3A_282 : i32 to vector<16xi32>
      %broadcast_in_dim3A_285 = vector.broadcast %jit3A_283 : i32 to vector<16xi32>
      %select_n3A_286 = arith.select %eq3A_271, %broadcast_in_dim3A_284, %broadcast_in_dim3A_285 : vector<16xi1>, vector<16xi32>
      %add3A_287 = arith.addi %add3A_267, %select_n3A_286 : vector<16xi32>
      %broadcast_in_dim3A_288 = arith.constant 23 : i32
      %broadcast_in_dim3A_289 = vector.broadcast %broadcast_in_dim3A_288 : i32 to vector<16xi32>
      %gather3A_290 = tpu.vector_load_idx %arg11[%broadcast_in_dim3A_289] : memref<32xi32, #tpu.memory_space<vmem>>[vector<16xi32>], vector<16xi32>,
      %eq3A_291 = arith.cmpi eq, %get3A_145, %gather3A_290 : vector<16xi32>
      %gt3A_292 = arith.constant 7 : i32
      %gt3A_293 = vector.broadcast %gt3A_292 : i32 to vector<16xi32>
      %gt3A_294 = arith.cmpi sgt, %iota3A, %gt3A_293 : vector<16xi32>
      %and3A_295 = arith.andi %eq3A_291, %gt3A_294 : vector<16xi1>
      %jit3A_296 = arith.constant 1 : i32
      %jit3A_297 = arith.constant 0 : i32
      %broadcast_in_dim3A_298 = vector.broadcast %jit3A_296 : i32 to vector<16xi32>
      %broadcast_in_dim3A_299 = vector.broadcast %jit3A_297 : i32 to vector<16xi32>
      %select_n3A_300 = arith.select %and3A_295, %broadcast_in_dim3A_298, %broadcast_in_dim3A_299 : vector<16xi1>, vector<16xi32>
      %add3A_301 = arith.addi %add3A_281, %select_n3A_300 : vector<16xi32>
      %jit3A_302 = arith.constant 1 : i32
      %jit3A_303 = arith.constant 0 : i32
      %broadcast_in_dim3A_304 = vector.broadcast %jit3A_302 : i32 to vector<16xi32>
      %broadcast_in_dim3A_305 = vector.broadcast %jit3A_303 : i32 to vector<16xi32>
      %select_n3A_306 = arith.select %eq3A_291, %broadcast_in_dim3A_304, %broadcast_in_dim3A_305 : vector<16xi1>, vector<16xi32>
      %add3A_307 = arith.addi %add3A_287, %select_n3A_306 : vector<16xi32>
      %broadcast_in_dim3A_308 = arith.constant 24 : i32
      %broadcast_in_dim3A_309 = vector.broadcast %broadcast_in_dim3A_308 : i32 to vector<16xi32>
      %gather3A_310 = tpu.vector_load_idx %arg11[%broadcast_in_dim3A_309] : memref<32xi32, #tpu.memory_space<vmem>>[vector<16xi32>], vector<16xi32>,
      %eq3A_311 = arith.cmpi eq, %get3A_145, %gather3A_310 : vector<16xi32>
      %gt3A_312 = arith.constant 8 : i32
      %gt3A_313 = vector.broadcast %gt3A_312 : i32 to vector<16xi32>
      %gt3A_314 = arith.cmpi sgt, %iota3A, %gt3A_313 : vector<16xi32>
      %and3A_315 = arith.andi %eq3A_311, %gt3A_314 : vector<16xi1>
      %jit3A_316 = arith.constant 1 : i32
      %jit3A_317 = arith.constant 0 : i32
      %broadcast_in_dim3A_318 = vector.broadcast %jit3A_316 : i32 to vector<16xi32>
      %broadcast_in_dim3A_319 = vector.broadcast %jit3A_317 : i32 to vector<16xi32>
      %select_n3A_320 = arith.select %and3A_315, %broadcast_in_dim3A_318, %broadcast_in_dim3A_319 : vector<16xi1>, vector<16xi32>
      %add3A_321 = arith.addi %add3A_301, %select_n3A_320 : vector<16xi32>
      %jit3A_322 = arith.constant 1 : i32
      %jit3A_323 = arith.constant 0 : i32
      %broadcast_in_dim3A_324 = vector.broadcast %jit3A_322 : i32 to vector<16xi32>
      %broadcast_in_dim3A_325 = vector.broadcast %jit3A_323 : i32 to vector<16xi32>
      %select_n3A_326 = arith.select %eq3A_311, %broadcast_in_dim3A_324, %broadcast_in_dim3A_325 : vector<16xi1>, vector<16xi32>
      %add3A_327 = arith.addi %add3A_307, %select_n3A_326 : vector<16xi32>
      %broadcast_in_dim3A_328 = arith.constant 25 : i32
      %broadcast_in_dim3A_329 = vector.broadcast %broadcast_in_dim3A_328 : i32 to vector<16xi32>
      %gather3A_330 = tpu.vector_load_idx %arg11[%broadcast_in_dim3A_329] : memref<32xi32, #tpu.memory_space<vmem>>[vector<16xi32>], vector<16xi32>,
      %eq3A_331 = arith.cmpi eq, %get3A_145, %gather3A_330 : vector<16xi32>
      %gt3A_332 = arith.constant 9 : i32
      %gt3A_333 = vector.broadcast %gt3A_332 : i32 to vector<16xi32>
      %gt3A_334 = arith.cmpi sgt, %iota3A, %gt3A_333 : vector<16xi32>
      %and3A_335 = arith.andi %eq3A_331, %gt3A_334 : vector<16xi1>
      %jit3A_336 = arith.constant 1 : i32
      %jit3A_337 = arith.constant 0 : i32
      %broadcast_in_dim3A_338 = vector.broadcast %jit3A_336 : i32 to vector<16xi32>
      %broadcast_in_dim3A_339 = vector.broadcast %jit3A_337 : i32 to vector<16xi32>
      %select_n3A_340 = arith.select %and3A_335, %broadcast_in_dim3A_338, %broadcast_in_dim3A_339 : vector<16xi1>, vector<16xi32>
      %add3A_341 = arith.addi %add3A_321, %select_n3A_340 : vector<16xi32>
      %jit3A_342 = arith.constant 1 : i32
      %jit3A_343 = arith.constant 0 : i32
      %broadcast_in_dim3A_344 = vector.broadcast %jit3A_342 : i32 to vector<16xi32>
      %broadcast_in_dim3A_345 = vector.broadcast %jit3A_343 : i32 to vector<16xi32>
      %select_n3A_346 = arith.select %eq3A_331, %broadcast_in_dim3A_344, %broadcast_in_dim3A_345 : vector<16xi1>, vector<16xi32>
      %add3A_347 = arith.addi %add3A_327, %select_n3A_346 : vector<16xi32>
      %broadcast_in_dim3A_348 = arith.constant 26 : i32
      %broadcast_in_dim3A_349 = vector.broadcast %broadcast_in_dim3A_348 : i32 to vector<16xi32>
      %gather3A_350 = tpu.vector_load_idx %arg11[%broadcast_in_dim3A_349] : memref<32xi32, #tpu.memory_space<vmem>>[vector<16xi32>], vector<16xi32>,
      %eq3A_351 = arith.cmpi eq, %get3A_145, %gather3A_350 : vector<16xi32>
      %gt3A_352 = arith.constant 10 : i32
      %gt3A_353 = vector.broadcast %gt3A_352 : i32 to vector<16xi32>
      %gt3A_354 = arith.cmpi sgt, %iota3A, %gt3A_353 : vector<16xi32>
      %and3A_355 = arith.andi %eq3A_351, %gt3A_354 : vector<16xi1>
      %jit3A_356 = arith.constant 1 : i32
      %jit3A_357 = arith.constant 0 : i32
      %broadcast_in_dim3A_358 = vector.broadcast %jit3A_356 : i32 to vector<16xi32>
      %broadcast_in_dim3A_359 = vector.broadcast %jit3A_357 : i32 to vector<16xi32>
      %select_n3A_360 = arith.select %and3A_355, %broadcast_in_dim3A_358, %broadcast_in_dim3A_359 : vector<16xi1>, vector<16xi32>
      %add3A_361 = arith.addi %add3A_341, %select_n3A_360 : vector<16xi32>
      %jit3A_362 = arith.constant 1 : i32
      %jit3A_363 = arith.constant 0 : i32
      %broadcast_in_dim3A_364 = vector.broadcast %jit3A_362 : i32 to vector<16xi32>
      %broadcast_in_dim3A_365 = vector.broadcast %jit3A_363 : i32 to vector<16xi32>
      %select_n3A_366 = arith.select %eq3A_351, %broadcast_in_dim3A_364, %broadcast_in_dim3A_365 : vector<16xi1>, vector<16xi32>
      %add3A_367 = arith.addi %add3A_347, %select_n3A_366 : vector<16xi32>
      %broadcast_in_dim3A_368 = arith.constant 27 : i32
      %broadcast_in_dim3A_369 = vector.broadcast %broadcast_in_dim3A_368 : i32 to vector<16xi32>
      %gather3A_370 = tpu.vector_load_idx %arg11[%broadcast_in_dim3A_369] : memref<32xi32, #tpu.memory_space<vmem>>[vector<16xi32>], vector<16xi32>,
      %eq3A_371 = arith.cmpi eq, %get3A_145, %gather3A_370 : vector<16xi32>
      %gt3A_372 = arith.constant 11 : i32
      %gt3A_373 = vector.broadcast %gt3A_372 : i32 to vector<16xi32>
      %gt3A_374 = arith.cmpi sgt, %iota3A, %gt3A_373 : vector<16xi32>
      %and3A_375 = arith.andi %eq3A_371, %gt3A_374 : vector<16xi1>
      %jit3A_376 = arith.constant 1 : i32
      %jit3A_377 = arith.constant 0 : i32
      %broadcast_in_dim3A_378 = vector.broadcast %jit3A_376 : i32 to vector<16xi32>
      %broadcast_in_dim3A_379 = vector.broadcast %jit3A_377 : i32 to vector<16xi32>
      %select_n3A_380 = arith.select %and3A_375, %broadcast_in_dim3A_378, %broadcast_in_dim3A_379 : vector<16xi1>, vector<16xi32>
      %add3A_381 = arith.addi %add3A_361, %select_n3A_380 : vector<16xi32>
      %jit3A_382 = arith.constant 1 : i32
      %jit3A_383 = arith.constant 0 : i32
      %broadcast_in_dim3A_384 = vector.broadcast %jit3A_382 : i32 to vector<16xi32>
      %broadcast_in_dim3A_385 = vector.broadcast %jit3A_383 : i32 to vector<16xi32>
      %select_n3A_386 = arith.select %eq3A_371, %broadcast_in_dim3A_384, %broadcast_in_dim3A_385 : vector<16xi1>, vector<16xi32>
      %add3A_387 = arith.addi %add3A_367, %select_n3A_386 : vector<16xi32>
      %broadcast_in_dim3A_388 = arith.constant 28 : i32
      %broadcast_in_dim3A_389 = vector.broadcast %broadcast_in_dim3A_388 : i32 to vector<16xi32>
      %gather3A_390 = tpu.vector_load_idx %arg11[%broadcast_in_dim3A_389] : memref<32xi32, #tpu.memory_space<vmem>>[vector<16xi32>], vector<16xi32>,
      %eq3A_391 = arith.cmpi eq, %get3A_145, %gather3A_390 : vector<16xi32>
      %gt3A_392 = arith.constant 12 : i32
      %gt3A_393 = vector.broadcast %gt3A_392 : i32 to vector<16xi32>
      %gt3A_394 = arith.cmpi sgt, %iota3A, %gt3A_393 : vector<16xi32>
      %and3A_395 = arith.andi %eq3A_391, %gt3A_394 : vector<16xi1>
      %jit3A_396 = arith.constant 1 : i32
      %jit3A_397 = arith.constant 0 : i32
      %broadcast_in_dim3A_398 = vector.broadcast %jit3A_396 : i32 to vector<16xi32>
      %broadcast_in_dim3A_399 = vector.broadcast %jit3A_397 : i32 to vector<16xi32>
      %select_n3A_400 = arith.select %and3A_395, %broadcast_in_dim3A_398, %broadcast_in_dim3A_399 : vector<16xi1>, vector<16xi32>
      %add3A_401 = arith.addi %add3A_381, %select_n3A_400 : vector<16xi32>
      %jit3A_402 = arith.constant 1 : i32
      %jit3A_403 = arith.constant 0 : i32
      %broadcast_in_dim3A_404 = vector.broadcast %jit3A_402 : i32 to vector<16xi32>
      %broadcast_in_dim3A_405 = vector.broadcast %jit3A_403 : i32 to vector<16xi32>
      %select_n3A_406 = arith.select %eq3A_391, %broadcast_in_dim3A_404, %broadcast_in_dim3A_405 : vector<16xi1>, vector<16xi32>
      %add3A_407 = arith.addi %add3A_387, %select_n3A_406 : vector<16xi32>
      %broadcast_in_dim3A_408 = arith.constant 29 : i32
      %broadcast_in_dim3A_409 = vector.broadcast %broadcast_in_dim3A_408 : i32 to vector<16xi32>
      %gather3A_410 = tpu.vector_load_idx %arg11[%broadcast_in_dim3A_409] : memref<32xi32, #tpu.memory_space<vmem>>[vector<16xi32>], vector<16xi32>,
      %eq3A_411 = arith.cmpi eq, %get3A_145, %gather3A_410 : vector<16xi32>
      %gt3A_412 = arith.constant 13 : i32
      %gt3A_413 = vector.broadcast %gt3A_412 : i32 to vector<16xi32>
      %gt3A_414 = arith.cmpi sgt, %iota3A, %gt3A_413 : vector<16xi32>
      %and3A_415 = arith.andi %eq3A_411, %gt3A_414 : vector<16xi1>
      %jit3A_416 = arith.constant 1 : i32
      %jit3A_417 = arith.constant 0 : i32
      %broadcast_in_dim3A_418 = vector.broadcast %jit3A_416 : i32 to vector<16xi32>
      %broadcast_in_dim3A_419 = vector.broadcast %jit3A_417 : i32 to vector<16xi32>
      %select_n3A_420 = arith.select %and3A_415, %broadcast_in_dim3A_418, %broadcast_in_dim3A_419 : vector<16xi1>, vector<16xi32>
      %add3A_421 = arith.addi %add3A_401, %select_n3A_420 : vector<16xi32>
      %jit3A_422 = arith.constant 1 : i32
      %jit3A_423 = arith.constant 0 : i32
      %broadcast_in_dim3A_424 = vector.broadcast %jit3A_422 : i32 to vector<16xi32>
      %broadcast_in_dim3A_425 = vector.broadcast %jit3A_423 : i32 to vector<16xi32>
      %select_n3A_426 = arith.select %eq3A_411, %broadcast_in_dim3A_424, %broadcast_in_dim3A_425 : vector<16xi1>, vector<16xi32>
      %add3A_427 = arith.addi %add3A_407, %select_n3A_426 : vector<16xi32>
      %broadcast_in_dim3A_428 = arith.constant 30 : i32
      %broadcast_in_dim3A_429 = vector.broadcast %broadcast_in_dim3A_428 : i32 to vector<16xi32>
      %gather3A_430 = tpu.vector_load_idx %arg11[%broadcast_in_dim3A_429] : memref<32xi32, #tpu.memory_space<vmem>>[vector<16xi32>], vector<16xi32>,
      %eq3A_431 = arith.cmpi eq, %get3A_145, %gather3A_430 : vector<16xi32>
      %gt3A_432 = arith.constant 14 : i32
      %gt3A_433 = vector.broadcast %gt3A_432 : i32 to vector<16xi32>
      %gt3A_434 = arith.cmpi sgt, %iota3A, %gt3A_433 : vector<16xi32>
      %and3A_435 = arith.andi %eq3A_431, %gt3A_434 : vector<16xi1>
      %jit3A_436 = arith.constant 1 : i32
      %jit3A_437 = arith.constant 0 : i32
      %broadcast_in_dim3A_438 = vector.broadcast %jit3A_436 : i32 to vector<16xi32>
      %broadcast_in_dim3A_439 = vector.broadcast %jit3A_437 : i32 to vector<16xi32>
      %select_n3A_440 = arith.select %and3A_435, %broadcast_in_dim3A_438, %broadcast_in_dim3A_439 : vector<16xi1>, vector<16xi32>
      %add3A_441 = arith.addi %add3A_421, %select_n3A_440 : vector<16xi32>
      %jit3A_442 = arith.constant 1 : i32
      %jit3A_443 = arith.constant 0 : i32
      %broadcast_in_dim3A_444 = vector.broadcast %jit3A_442 : i32 to vector<16xi32>
      %broadcast_in_dim3A_445 = vector.broadcast %jit3A_443 : i32 to vector<16xi32>
      %select_n3A_446 = arith.select %eq3A_431, %broadcast_in_dim3A_444, %broadcast_in_dim3A_445 : vector<16xi1>, vector<16xi32>
      %add3A_447 = arith.addi %add3A_427, %select_n3A_446 : vector<16xi32>
      %broadcast_in_dim3A_448 = arith.constant 31 : i32
      %broadcast_in_dim3A_449 = vector.broadcast %broadcast_in_dim3A_448 : i32 to vector<16xi32>
      %gather3A_450 = tpu.vector_load_idx %arg11[%broadcast_in_dim3A_449] : memref<32xi32, #tpu.memory_space<vmem>>[vector<16xi32>], vector<16xi32>,
      %eq3A_451 = arith.cmpi eq, %get3A_145, %gather3A_450 : vector<16xi32>
      %gt3A_452 = arith.constant 15 : i32
      %gt3A_453 = vector.broadcast %gt3A_452 : i32 to vector<16xi32>
      %gt3A_454 = arith.cmpi sgt, %iota3A, %gt3A_453 : vector<16xi32>
      %and3A_455 = arith.andi %eq3A_451, %gt3A_454 : vector<16xi1>
      %jit3A_456 = arith.constant 1 : i32
      %jit3A_457 = arith.constant 0 : i32
      %broadcast_in_dim3A_458 = vector.broadcast %jit3A_456 : i32 to vector<16xi32>
      %broadcast_in_dim3A_459 = vector.broadcast %jit3A_457 : i32 to vector<16xi32>
      %select_n3A_460 = arith.select %and3A_455, %broadcast_in_dim3A_458, %broadcast_in_dim3A_459 : vector<16xi1>, vector<16xi32>
      %add3A_461 = arith.addi %add3A_441, %select_n3A_460 : vector<16xi32>
      %jit3A_462 = arith.constant 1 : i32
      %jit3A_463 = arith.constant 0 : i32
      %broadcast_in_dim3A_464 = vector.broadcast %jit3A_462 : i32 to vector<16xi32>
      %broadcast_in_dim3A_465 = vector.broadcast %jit3A_463 : i32 to vector<16xi32>
      %select_n3A_466 = arith.select %eq3A_451, %broadcast_in_dim3A_464, %broadcast_in_dim3A_465 : vector<16xi1>, vector<16xi32>
      %add3A_467 = arith.addi %add3A_447, %select_n3A_466 : vector<16xi32>
      %gather3A_468 = tpu.vector_load_idx %arg12[%get3A_145] : memref<64xi32, #tpu.memory_space<vmem>>[vector<16xi32>], vector<16xi32>,
      %ge3A = arith.cmpi sge, %scan3A_140, %mul3A_16 : i32
      %add3A_469 = arith.constant 4 : i32
      %add3A_470 = arith.addi %mul3A_16, %add3A_469 : i32
      %lt3A = arith.cmpi slt, %scan3A_140, %add3A_470 : i32
      %and3A_471 = arith.andi %ge3A, %lt3A : i1
      %convert_element_type3A_472 = arith.extui %and3A_471 : i1 to i32
      %cond3A_473 = arith.constant 0 : i32
      %cond3A_474 = arith.cmpi ne, %convert_element_type3A_472, %cond3A_473 : i32
      scf.if %cond3A_474 {
        %add3A_477 = arith.addi %gather3A_468, %add3A_461 : vector<16xi32>
        %sub3A_478 = arith.subi %scan3A_140, %mul3A_16 : i32
        %mul3A_479 = arith.constant 16 : i32
        %mul3A_480 = arith.muli %sub3A_478, %mul3A_479 : i32
        %swap3A_481 = arith.index_cast %mul3A_480 : i32 to index
        %swap3A_482 = tpu.vector_load %arg14[%swap3A_481] {strides = array<i32>} : memref<64xi32, #tpu.memory_space<vmem>>, vector<16xi32>,
        tpu.vector_store %arg14[%swap3A_481], %add3A_477 {strides = array<i32>} : memref<64xi32, #tpu.memory_space<vmem>>, vector<16xi32>,
      } else {
      }
      %add3A_475 = arith.addi %gather3A_468, %add3A_467 : vector<16xi32>
      tpu.vector_store_idx %arg12[%get3A_145], %add3A_475 : memref<64xi32, #tpu.memory_space<vmem>>[vector<16xi32>], vector<16xi32>,
      %scan3A_476 = arith.constant 0 : i32
      scf.yield %scan3A_476 : i32
    }
    %scan3A_22 = arith.constant 128 : i32
    %get3A = arith.constant 0 : index
    %get3A_23 = tpu.vector_load %arg12[%get3A] {strides = array<i32>} : memref<64xi32, #tpu.memory_space<vmem>>, vector<16xi32>,
    %broadcast_in_dim3A_24 = arith.constant true
    %broadcast_in_dim3A_25 = vector.broadcast %broadcast_in_dim3A_24 : i1 to vector<16xi1>
    %masked_cumsum3A = tpu.scan <sum>, %get3A_23 masked %broadcast_in_dim3A_25 : vector<16xi32>, vector<16xi1> -> vector<16xi32>
    %sub3A = arith.subi %masked_cumsum3A, %get3A_23 : vector<16xi32>
    %add3A_26 = arith.constant 0 : i32
    %add3A_27 = vector.broadcast %add3A_26 : i32 to vector<16xi32>
    %add3A_28 = arith.addi %sub3A, %add3A_27 : vector<16xi32>
    %swap3A_29 = arith.constant 0 : index
    %swap3A_30 = tpu.vector_load %arg13[%swap3A_29] {strides = array<i32>} : memref<64xi32, #tpu.memory_space<vmem>>, vector<16xi32>,
    tpu.vector_store %arg13[%swap3A_29], %add3A_28 {strides = array<i32>} : memref<64xi32, #tpu.memory_space<vmem>>, vector<16xi32>,
    %reduce_sum3A = arith.constant true
    %reduce_sum3A_31 = vector.broadcast %reduce_sum3A : i1 to vector<16xi1>
    %reduce_sum3A_32 = tpu.scan <sum>, %get3A_23 masked %reduce_sum3A_31 : vector<16xi32>, vector<16xi1> -> vector<16xi32>
    %reduce_sum3A_33 = vector.extract %reduce_sum3A_32[15] : i32 from vector<16xi32>
    %add3A_34 = arith.constant 0 : i32
    %add3A_35 = arith.addi %add3A_34, %reduce_sum3A_33 : i32
    %get3A_36 = arith.constant 16 : index
    %get3A_37 = tpu.vector_load %arg12[%get3A_36] {strides = array<i32>} : memref<64xi32, #tpu.memory_space<vmem>>, vector<16xi32>,
    %broadcast_in_dim3A_38 = arith.constant true
    %broadcast_in_dim3A_39 = vector.broadcast %broadcast_in_dim3A_38 : i1 to vector<16xi1>
    %masked_cumsum3A_40 = tpu.scan <sum>, %get3A_37 masked %broadcast_in_dim3A_39 : vector<16xi32>, vector<16xi1> -> vector<16xi32>
    %sub3A_41 = arith.subi %masked_cumsum3A_40, %get3A_37 : vector<16xi32>
    %add3A_42 = vector.broadcast %add3A_35 : i32 to vector<16xi32>
    %add3A_43 = arith.addi %sub3A_41, %add3A_42 : vector<16xi32>
    %swap3A_44 = arith.constant 16 : index
    %swap3A_45 = tpu.vector_load %arg13[%swap3A_44] {strides = array<i32>} : memref<64xi32, #tpu.memory_space<vmem>>, vector<16xi32>,
    tpu.vector_store %arg13[%swap3A_44], %add3A_43 {strides = array<i32>} : memref<64xi32, #tpu.memory_space<vmem>>, vector<16xi32>,
    %reduce_sum3A_46 = arith.constant true
    %reduce_sum3A_47 = vector.broadcast %reduce_sum3A_46 : i1 to vector<16xi1>
    %reduce_sum3A_48 = tpu.scan <sum>, %get3A_37 masked %reduce_sum3A_47 : vector<16xi32>, vector<16xi1> -> vector<16xi32>
    %reduce_sum3A_49 = vector.extract %reduce_sum3A_48[15] : i32 from vector<16xi32>
    %add3A_50 = arith.addi %add3A_35, %reduce_sum3A_49 : i32
    %get3A_51 = arith.constant 32 : index
    %get3A_52 = tpu.vector_load %arg12[%get3A_51] {strides = array<i32>} : memref<64xi32, #tpu.memory_space<vmem>>, vector<16xi32>,
    %broadcast_in_dim3A_53 = arith.constant true
    %broadcast_in_dim3A_54 = vector.broadcast %broadcast_in_dim3A_53 : i1 to vector<16xi1>
    %masked_cumsum3A_55 = tpu.scan <sum>, %get3A_52 masked %broadcast_in_dim3A_54 : vector<16xi32>, vector<16xi1> -> vector<16xi32>
    %sub3A_56 = arith.subi %masked_cumsum3A_55, %get3A_52 : vector<16xi32>
    %add3A_57 = vector.broadcast %add3A_50 : i32 to vector<16xi32>
    %add3A_58 = arith.addi %sub3A_56, %add3A_57 : vector<16xi32>
    %swap3A_59 = arith.constant 32 : index
    %swap3A_60 = tpu.vector_load %arg13[%swap3A_59] {strides = array<i32>} : memref<64xi32, #tpu.memory_space<vmem>>, vector<16xi32>,
    tpu.vector_store %arg13[%swap3A_59], %add3A_58 {strides = array<i32>} : memref<64xi32, #tpu.memory_space<vmem>>, vector<16xi32>,
    %reduce_sum3A_61 = arith.constant true
    %reduce_sum3A_62 = vector.broadcast %reduce_sum3A_61 : i1 to vector<16xi1>
    %reduce_sum3A_63 = tpu.scan <sum>, %get3A_52 masked %reduce_sum3A_62 : vector<16xi32>, vector<16xi1> -> vector<16xi32>
    %reduce_sum3A_64 = vector.extract %reduce_sum3A_63[15] : i32 from vector<16xi32>
    %add3A_65 = arith.addi %add3A_50, %reduce_sum3A_64 : i32
    %get3A_66 = arith.constant 48 : index
    %get3A_67 = tpu.vector_load %arg12[%get3A_66] {strides = array<i32>} : memref<64xi32, #tpu.memory_space<vmem>>, vector<16xi32>,
    %broadcast_in_dim3A_68 = arith.constant true
    %broadcast_in_dim3A_69 = vector.broadcast %broadcast_in_dim3A_68 : i1 to vector<16xi1>
    %masked_cumsum3A_70 = tpu.scan <sum>, %get3A_67 masked %broadcast_in_dim3A_69 : vector<16xi32>, vector<16xi1> -> vector<16xi32>
    %sub3A_71 = arith.subi %masked_cumsum3A_70, %get3A_67 : vector<16xi32>
    %add3A_72 = vector.broadcast %add3A_65 : i32 to vector<16xi32>
    %add3A_73 = arith.addi %sub3A_71, %add3A_72 : vector<16xi32>
    %swap3A_74 = arith.constant 48 : index
    %swap3A_75 = tpu.vector_load %arg13[%swap3A_74] {strides = array<i32>} : memref<64xi32, #tpu.memory_space<vmem>>, vector<16xi32>,
    tpu.vector_store %arg13[%swap3A_74], %add3A_73 {strides = array<i32>} : memref<64xi32, #tpu.memory_space<vmem>>, vector<16xi32>,
    %reduce_sum3A_76 = arith.constant true
    %reduce_sum3A_77 = vector.broadcast %reduce_sum3A_76 : i1 to vector<16xi1>
    %reduce_sum3A_78 = tpu.scan <sum>, %get3A_67 masked %reduce_sum3A_77 : vector<16xi32>, vector<16xi1> -> vector<16xi32>
    %reduce_sum3A_79 = vector.extract %reduce_sum3A_78[15] : i32 from vector<16xi32>
    %add3A_80 = arith.addi %add3A_65, %reduce_sum3A_79 : i32
    %add3A_81 = arith.constant 0 : i32
    %add3A_82 = arith.addi %mul3A_16, %add3A_81 : i32
    %mul3A_83 = arith.constant 16 : i32
    %mul3A_84 = arith.muli %add3A_82, %mul3A_83 : i32
    %get3A_85 = arith.index_cast %mul3A_84 : i32 to index
    %get3A_86 = tpu.vector_load %arg10[%get3A_85] {strides = array<i32>} : memref<2048xi32, #tpu.memory_space<vmem>>, vector<16xi32>,
    %gather3A = tpu.vector_load_idx %arg13[%get3A_86] : memref<64xi32, #tpu.memory_space<vmem>>[vector<16xi32>], vector<16xi32>,
    %get3A_87 = arith.constant 0 : index
    %get3A_88 = tpu.vector_load %arg14[%get3A_87] {strides = array<i32>} : memref<64xi32, #tpu.memory_space<vmem>>, vector<16xi32>,
    %add3A_89 = arith.addi %gather3A, %get3A_88 : vector<16xi32>
    %swap3A_90 = arith.constant 0 : index
    %swap3A_91 = tpu.vector_load %arg15[%swap3A_90] {strides = array<i32>} : memref<64xi32, #tpu.memory_space<vmem>>, vector<16xi32>,
    tpu.vector_store %arg15[%swap3A_90], %add3A_89 {strides = array<i32>} : memref<64xi32, #tpu.memory_space<vmem>>, vector<16xi32>,
    %add3A_92 = arith.constant 1 : i32
    %add3A_93 = arith.addi %mul3A_16, %add3A_92 : i32
    %mul3A_94 = arith.constant 16 : i32
    %mul3A_95 = arith.muli %add3A_93, %mul3A_94 : i32
    %get3A_96 = arith.index_cast %mul3A_95 : i32 to index
    %get3A_97 = tpu.vector_load %arg10[%get3A_96] {strides = array<i32>} : memref<2048xi32, #tpu.memory_space<vmem>>, vector<16xi32>,
    %gather3A_98 = tpu.vector_load_idx %arg13[%get3A_97] : memref<64xi32, #tpu.memory_space<vmem>>[vector<16xi32>], vector<16xi32>,
    %get3A_99 = arith.constant 16 : index
    %get3A_100 = tpu.vector_load %arg14[%get3A_99] {strides = array<i32>} : memref<64xi32, #tpu.memory_space<vmem>>, vector<16xi32>,
    %add3A_101 = arith.addi %gather3A_98, %get3A_100 : vector<16xi32>
    %swap3A_102 = arith.constant 16 : index
    %swap3A_103 = tpu.vector_load %arg15[%swap3A_102] {strides = array<i32>} : memref<64xi32, #tpu.memory_space<vmem>>, vector<16xi32>,
    tpu.vector_store %arg15[%swap3A_102], %add3A_101 {strides = array<i32>} : memref<64xi32, #tpu.memory_space<vmem>>, vector<16xi32>,
    %add3A_104 = arith.constant 2 : i32
    %add3A_105 = arith.addi %mul3A_16, %add3A_104 : i32
    %mul3A_106 = arith.constant 16 : i32
    %mul3A_107 = arith.muli %add3A_105, %mul3A_106 : i32
    %get3A_108 = arith.index_cast %mul3A_107 : i32 to index
    %get3A_109 = tpu.vector_load %arg10[%get3A_108] {strides = array<i32>} : memref<2048xi32, #tpu.memory_space<vmem>>, vector<16xi32>,
    %gather3A_110 = tpu.vector_load_idx %arg13[%get3A_109] : memref<64xi32, #tpu.memory_space<vmem>>[vector<16xi32>], vector<16xi32>,
    %get3A_111 = arith.constant 32 : index
    %get3A_112 = tpu.vector_load %arg14[%get3A_111] {strides = array<i32>} : memref<64xi32, #tpu.memory_space<vmem>>, vector<16xi32>,
    %add3A_113 = arith.addi %gather3A_110, %get3A_112 : vector<16xi32>
    %swap3A_114 = arith.constant 32 : index
    %swap3A_115 = tpu.vector_load %arg15[%swap3A_114] {strides = array<i32>} : memref<64xi32, #tpu.memory_space<vmem>>, vector<16xi32>,
    tpu.vector_store %arg15[%swap3A_114], %add3A_113 {strides = array<i32>} : memref<64xi32, #tpu.memory_space<vmem>>, vector<16xi32>,
    %add3A_116 = arith.constant 3 : i32
    %add3A_117 = arith.addi %mul3A_16, %add3A_116 : i32
    %mul3A_118 = arith.constant 16 : i32
    %mul3A_119 = arith.muli %add3A_117, %mul3A_118 : i32
    %get3A_120 = arith.index_cast %mul3A_119 : i32 to index
    %get3A_121 = tpu.vector_load %arg10[%get3A_120] {strides = array<i32>} : memref<2048xi32, #tpu.memory_space<vmem>>, vector<16xi32>,
    %gather3A_122 = tpu.vector_load_idx %arg13[%get3A_121] : memref<64xi32, #tpu.memory_space<vmem>>[vector<16xi32>], vector<16xi32>,
    %get3A_123 = arith.constant 48 : index
    %get3A_124 = tpu.vector_load %arg14[%get3A_123] {strides = array<i32>} : memref<64xi32, #tpu.memory_space<vmem>>, vector<16xi32>,
    %add3A_125 = arith.addi %gather3A_122, %get3A_124 : vector<16xi32>
    %swap3A_126 = arith.constant 48 : index
    %swap3A_127 = tpu.vector_load %arg15[%swap3A_126] {strides = array<i32>} : memref<64xi32, #tpu.memory_space<vmem>>, vector<16xi32>,
    tpu.vector_store %arg15[%swap3A_126], %add3A_125 {strides = array<i32>} : memref<64xi32, #tpu.memory_space<vmem>>, vector<16xi32>,
    %mul3A_128 = arith.constant 64 : i32
    %mul3A_129 = arith.muli %add3A, %mul3A_128 : i32
    "tpu.region"() ({
      %run_scoped3A = tpu.sem_alloc : memref<!tpu.dma_semaphore, #tpu.memory_space<semaphore_mem>>
      %dma_start3A_140 = tpu.memref_slice %arg7[%mul3A_129] : memref<2048xi32, #tpu.memory_space<hbm>> -> memref<64xi32, #tpu.memory_space<hbm>>
      %dma_start3A_141 = tpu.memref_slice %arg7[%mul3A_129] : memref<2048xi32, #tpu.memory_space<hbm>> -> memref<64xi32, #tpu.memory_space<hbm>>
      tpu.enqueue_dma source(%arg15 : memref<64xi32, #tpu.memory_space<vmem>>) target(%dma_start3A_141 : memref<64xi32, #tpu.memory_space<hbm>>) target_semaphore(%run_scoped3A : memref<!tpu.dma_semaphore, #tpu.memory_space<semaphore_mem>>)
      %dma_wait3A_142 = tpu.memref_slice %arg7[%mul3A_129] : memref<2048xi32, #tpu.memory_space<hbm>> -> memref<64xi32, #tpu.memory_space<hbm>>
      %dma_wait3A_143 = tpu.memref_slice %arg7[%mul3A_129] : memref<2048xi32, #tpu.memory_space<hbm>> -> memref<64xi32, #tpu.memory_space<hbm>>
      tpu.wait_dma2 semaphore(%run_scoped3A : memref<!tpu.dma_semaphore, #tpu.memory_space<semaphore_mem>>) src(%arg15 : memref<64xi32, #tpu.memory_space<vmem>>) dst(%dma_wait3A_143 : memref<64xi32, #tpu.memory_space<hbm>>)
      tpu.yield
    }) : () -> ()
    "tpu.region"() ({
      %run_scoped3A = tpu.sem_alloc : memref<!tpu.dma_semaphore, #tpu.memory_space<semaphore_mem>>
      %dma_start3A_140 = arith.constant 0 : i32
      %dma_start3A_141 = tpu.memref_slice %arg3[%mul3A_129, %dma_start3A_140] : memref<2048x768xf32, #tpu.memory_space<hbm>> -> memref<64x768xf32, #tpu.memory_space<hbm>>
      %dma_start3A_142 = arith.constant 0 : i32
      %dma_start3A_143 = tpu.memref_slice %arg3[%mul3A_129, %dma_start3A_142] : memref<2048x768xf32, #tpu.memory_space<hbm>> -> memref<64x768xf32, #tpu.memory_space<hbm>>
      tpu.enqueue_dma source(%dma_start3A_143 : memref<64x768xf32, #tpu.memory_space<hbm>>) target(%arg16 : memref<64x768xf32, #tpu.memory_space<vmem>>) target_semaphore(%run_scoped3A : memref<!tpu.dma_semaphore, #tpu.memory_space<semaphore_mem>>)
      %dma_wait3A_144 = arith.constant 0 : i32
      %dma_wait3A_145 = tpu.memref_slice %arg3[%mul3A_129, %dma_wait3A_144] : memref<2048x768xf32, #tpu.memory_space<hbm>> -> memref<64x768xf32, #tpu.memory_space<hbm>>
      %dma_wait3A_146 = arith.constant 0 : i32
      %dma_wait3A_147 = tpu.memref_slice %arg3[%mul3A_129, %dma_wait3A_146] : memref<2048x768xf32, #tpu.memory_space<hbm>> -> memref<64x768xf32, #tpu.memory_space<hbm>>
      tpu.wait_dma2 semaphore(%run_scoped3A : memref<!tpu.dma_semaphore, #tpu.memory_space<semaphore_mem>>) src(%dma_wait3A_147 : memref<64x768xf32, #tpu.memory_space<hbm>>) dst(%arg16 : memref<64x768xf32, #tpu.memory_space<vmem>>)
      tpu.yield
    }) : () -> ()
    %dma_start3A = arith.constant 0 : i32
    %dma_start3A_130 = arith.constant 0 : i32
    %dma_start3A_131 = tpu.memref_slice %arg5[%dma_start3A, %dma_start3A_130] : memref<2048x768xf32, #tpu.memory_space<hbm>> -> memref<2048x768xf32, #tpu.memory_space<hbm>>
    tpu.enqueue_indirect_dma source(%arg16 : memref<64x768xf32, #tpu.memory_space<vmem>>) target(%dma_start3A_131 : memref<2048x768xf32, #tpu.memory_space<hbm>>) offsets(%arg15 : memref<64xi32, #tpu.memory_space<vmem>>) semaphore(%arg18 : memref<!tpu.dma_semaphore, #tpu.memory_space<semaphore_mem>>)
    %dma_wait3A = arith.constant 0 : i32
    %dma_wait3A_132 = arith.constant 0 : i32
    %dma_wait3A_133 = tpu.memref_slice %arg5[%dma_wait3A, %dma_wait3A_132] : memref<2048x768xf32, #tpu.memory_space<hbm>> -> memref<2048x768xf32, #tpu.memory_space<hbm>>
    tpu.wait_indirect_dma semaphore(%arg18 : memref<!tpu.dma_semaphore, #tpu.memory_space<semaphore_mem>>) src(%arg16 : memref<64x768xf32, #tpu.memory_space<vmem>>) dst(%dma_wait3A_133 : memref<2048x768xf32, #tpu.memory_space<hbm>>)
    "tpu.region"() ({
      %run_scoped3A = tpu.sem_alloc : memref<!tpu.dma_semaphore, #tpu.memory_space<semaphore_mem>>
      %dma_start3A_140 = tpu.memref_slice %arg4[%mul3A_129] : memref<2048xf32, #tpu.memory_space<hbm>> -> memref<64xf32, #tpu.memory_space<hbm>>
      %dma_start3A_141 = tpu.memref_slice %arg4[%mul3A_129] : memref<2048xf32, #tpu.memory_space<hbm>> -> memref<64xf32, #tpu.memory_space<hbm>>
      tpu.enqueue_dma source(%dma_start3A_141 : memref<64xf32, #tpu.memory_space<hbm>>) target(%arg17 : memref<64xf32, #tpu.memory_space<vmem>>) target_semaphore(%run_scoped3A : memref<!tpu.dma_semaphore, #tpu.memory_space<semaphore_mem>>)
      %dma_wait3A_142 = tpu.memref_slice %arg4[%mul3A_129] : memref<2048xf32, #tpu.memory_space<hbm>> -> memref<64xf32, #tpu.memory_space<hbm>>
      %dma_wait3A_143 = tpu.memref_slice %arg4[%mul3A_129] : memref<2048xf32, #tpu.memory_space<hbm>> -> memref<64xf32, #tpu.memory_space<hbm>>
      tpu.wait_dma2 semaphore(%run_scoped3A : memref<!tpu.dma_semaphore, #tpu.memory_space<semaphore_mem>>) src(%dma_wait3A_143 : memref<64xf32, #tpu.memory_space<hbm>>) dst(%arg17 : memref<64xf32, #tpu.memory_space<vmem>>)
      tpu.yield
    }) : () -> ()
    %dma_start3A_134 = arith.constant 0 : i32
    %dma_start3A_135 = tpu.memref_slice %arg6[%dma_start3A_134] : memref<2048xf32, #tpu.memory_space<hbm>> -> memref<2048xf32, #tpu.memory_space<hbm>>
    tpu.enqueue_indirect_dma source(%arg17 : memref<64xf32, #tpu.memory_space<vmem>>) target(%dma_start3A_135 : memref<2048xf32, #tpu.memory_space<hbm>>) offsets(%arg15 : memref<64xi32, #tpu.memory_space<vmem>>) semaphore(%arg18 : memref<!tpu.dma_semaphore, #tpu.memory_space<semaphore_mem>>)
    %dma_wait3A_136 = arith.constant 0 : i32
    %dma_wait3A_137 = tpu.memref_slice %arg6[%dma_wait3A_136] : memref<2048xf32, #tpu.memory_space<hbm>> -> memref<2048xf32, #tpu.memory_space<hbm>>
    tpu.wait_indirect_dma semaphore(%arg18 : memref<!tpu.dma_semaphore, #tpu.memory_space<semaphore_mem>>) src(%arg17 : memref<64xf32, #tpu.memory_space<vmem>>) dst(%dma_wait3A_137 : memref<2048xf32, #tpu.memory_space<hbm>>)
    %eq3A = arith.constant 0 : i32
    %eq3A_138 = arith.cmpi eq, %add3A, %eq3A : i32
    %convert_element_type3A = arith.extui %eq3A_138 : i1 to i32
    %cond3A = arith.constant 0 : i32
    %cond3A_139 = arith.cmpi ne, %convert_element_type3A, %cond3A : i32
    scf.if %cond3A_139 {
      "tpu.region"() ({
        %run_scoped3A = tpu.sem_alloc : memref<!tpu.dma_semaphore, #tpu.memory_space<semaphore_mem>>
        tpu.enqueue_dma source(%arg12 : memref<64xi32, #tpu.memory_space<vmem>>) target(%arg8 : memref<64xi32, #tpu.memory_space<hbm>>) target_semaphore(%run_scoped3A : memref<!tpu.dma_semaphore, #tpu.memory_space<semaphore_mem>>)
        tpu.wait_dma2 semaphore(%run_scoped3A : memref<!tpu.dma_semaphore, #tpu.memory_space<semaphore_mem>>) src(%arg12 : memref<64xi32, #tpu.memory_space<vmem>>) dst(%arg8 : memref<64xi32, #tpu.memory_space<hbm>>)
        tpu.yield
      }) : () -> ()
      "tpu.region"() ({
        %run_scoped3A = tpu.sem_alloc : memref<!tpu.dma_semaphore, #tpu.memory_space<semaphore_mem>>
        tpu.enqueue_dma source(%arg13 : memref<64xi32, #tpu.memory_space<vmem>>) target(%arg9 : memref<64xi32, #tpu.memory_space<hbm>>) target_semaphore(%run_scoped3A : memref<!tpu.dma_semaphore, #tpu.memory_space<semaphore_mem>>)
        tpu.wait_dma2 semaphore(%run_scoped3A : memref<!tpu.dma_semaphore, #tpu.memory_space<semaphore_mem>>) src(%arg13 : memref<64xi32, #tpu.memory_space<vmem>>) dst(%arg9 : memref<64xi32, #tpu.memory_space<hbm>>)
        tpu.yield
      }) : () -> ()
    } else {
    }
    return
  }
}

#map = affine_map<(d0, d1) -> (0, 0)>
#map1 = affine_map<(d0, d1) -> (0)>
module attributes {stable_mosaic.version = 14 : i64} {
  func.func @_sc_combine(%arg0: i32, %arg1: i32, %arg2: memref<2048x768xf32, #tpu.memory_space<hbm>>, %arg3: memref<2048xi32, #tpu.memory_space<hbm>>, %arg4: memref<2048x768xf32, #tpu.memory_space<hbm>>, %arg5: memref<64xi32, #tpu.memory_space<vmem>>, %arg6: memref<64x768xf32, #tpu.memory_space<vmem>>, %arg7: memref<!tpu.dma_semaphore, #tpu.memory_space<semaphore_mem>>) attributes {dimension_semantics = [#tpu.dimension_semantics<core_parallel>, #tpu.dimension_semantics<subcore_parallel>], iteration_bounds = array<i64: 2, 16>, scalar_prefetch = 0 : i64, scratch_operands = 3 : i64, tpu.core_type = #tpu.core_type<sc_vector_subcore>, window_params = [{transform_indices = #map}, {transform_indices = #map1}, {transform_indices = #map}]} {
    %mul3A = arith.constant 2 : i32
    %mul3A_0 = arith.muli %arg1, %mul3A : i32
    %add3A = arith.addi %mul3A_0, %arg0 : i32
    %mul3A_1 = arith.constant 64 : i32
    %mul3A_2 = arith.muli %add3A, %mul3A_1 : i32
    "tpu.region"() ({
      %run_scoped3A = tpu.sem_alloc : memref<!tpu.dma_semaphore, #tpu.memory_space<semaphore_mem>>
      %dma_start3A_7 = tpu.memref_slice %arg3[%mul3A_2] : memref<2048xi32, #tpu.memory_space<hbm>> -> memref<64xi32, #tpu.memory_space<hbm>>
      %dma_start3A_8 = tpu.memref_slice %arg3[%mul3A_2] : memref<2048xi32, #tpu.memory_space<hbm>> -> memref<64xi32, #tpu.memory_space<hbm>>
      tpu.enqueue_dma source(%dma_start3A_8 : memref<64xi32, #tpu.memory_space<hbm>>) target(%arg5 : memref<64xi32, #tpu.memory_space<vmem>>) target_semaphore(%run_scoped3A : memref<!tpu.dma_semaphore, #tpu.memory_space<semaphore_mem>>)
      %dma_wait3A_9 = tpu.memref_slice %arg3[%mul3A_2] : memref<2048xi32, #tpu.memory_space<hbm>> -> memref<64xi32, #tpu.memory_space<hbm>>
      %dma_wait3A_10 = tpu.memref_slice %arg3[%mul3A_2] : memref<2048xi32, #tpu.memory_space<hbm>> -> memref<64xi32, #tpu.memory_space<hbm>>
      tpu.wait_dma2 semaphore(%run_scoped3A : memref<!tpu.dma_semaphore, #tpu.memory_space<semaphore_mem>>) src(%dma_wait3A_10 : memref<64xi32, #tpu.memory_space<hbm>>) dst(%arg5 : memref<64xi32, #tpu.memory_space<vmem>>)
      tpu.yield
    }) : () -> ()
    %dma_start3A = arith.constant 0 : i32
    %dma_start3A_3 = arith.constant 0 : i32
    %dma_start3A_4 = tpu.memref_slice %arg2[%dma_start3A, %dma_start3A_3] : memref<2048x768xf32, #tpu.memory_space<hbm>> -> memref<2048x768xf32, #tpu.memory_space<hbm>>
    tpu.enqueue_indirect_dma source(%dma_start3A_4 : memref<2048x768xf32, #tpu.memory_space<hbm>>) target(%arg6 : memref<64x768xf32, #tpu.memory_space<vmem>>) offsets(%arg5 : memref<64xi32, #tpu.memory_space<vmem>>) semaphore(%arg7 : memref<!tpu.dma_semaphore, #tpu.memory_space<semaphore_mem>>)
    %dma_wait3A = arith.constant 0 : i32
    %dma_wait3A_5 = arith.constant 0 : i32
    %dma_wait3A_6 = tpu.memref_slice %arg2[%dma_wait3A, %dma_wait3A_5] : memref<2048x768xf32, #tpu.memory_space<hbm>> -> memref<2048x768xf32, #tpu.memory_space<hbm>>
    tpu.wait_indirect_dma semaphore(%arg7 : memref<!tpu.dma_semaphore, #tpu.memory_space<semaphore_mem>>) src(%dma_wait3A_6 : memref<2048x768xf32, #tpu.memory_space<hbm>>) dst(%arg6 : memref<64x768xf32, #tpu.memory_space<vmem>>)
    "tpu.region"() ({
      %run_scoped3A = tpu.sem_alloc : memref<!tpu.dma_semaphore, #tpu.memory_space<semaphore_mem>>
      %dma_start3A_7 = arith.constant 0 : i32
      %dma_start3A_8 = tpu.memref_slice %arg4[%mul3A_2, %dma_start3A_7] : memref<2048x768xf32, #tpu.memory_space<hbm>> -> memref<64x768xf32, #tpu.memory_space<hbm>>
      %dma_start3A_9 = arith.constant 0 : i32
      %dma_start3A_10 = tpu.memref_slice %arg4[%mul3A_2, %dma_start3A_9] : memref<2048x768xf32, #tpu.memory_space<hbm>> -> memref<64x768xf32, #tpu.memory_space<hbm>>
      tpu.enqueue_dma source(%arg6 : memref<64x768xf32, #tpu.memory_space<vmem>>) target(%dma_start3A_10 : memref<64x768xf32, #tpu.memory_space<hbm>>) target_semaphore(%run_scoped3A : memref<!tpu.dma_semaphore, #tpu.memory_space<semaphore_mem>>)
      %dma_wait3A_11 = arith.constant 0 : i32
      %dma_wait3A_12 = tpu.memref_slice %arg4[%mul3A_2, %dma_wait3A_11] : memref<2048x768xf32, #tpu.memory_space<hbm>> -> memref<64x768xf32, #tpu.memory_space<hbm>>
      %dma_wait3A_13 = arith.constant 0 : i32
      %dma_wait3A_14 = tpu.memref_slice %arg4[%mul3A_2, %dma_wait3A_13] : memref<2048x768xf32, #tpu.memory_space<hbm>> -> memref<64x768xf32, #tpu.memory_space<hbm>>
      tpu.wait_dma2 semaphore(%run_scoped3A : memref<!tpu.dma_semaphore, #tpu.memory_space<semaphore_mem>>) src(%arg6 : memref<64x768xf32, #tpu.memory_space<vmem>>) dst(%dma_wait3A_14 : memref<64x768xf32, #tpu.memory_space<hbm>>)
      tpu.yield
    }) : () -> ()
    return
  }
}

module attributes {stable_mosaic.version = 14 : i64} {
  func.func @_mlp_kernel(%arg0: i32, %arg1: memref<64xi32, #tpu.memory_space<smem>>, %arg2: memref<64xi32, #tpu.memory_space<smem>>, %arg3: memref<2048x768xf32, #tpu.memory_space<vmem>>, %arg4: memref<2048x1xf32, #tpu.memory_space<vmem>>, %arg5: memref<1x768x1024xf32, #tpu.memory_space<vmem>>, %arg6: memref<1x1024x768xf32, #tpu.memory_space<vmem>>, %arg7: memref<2048x768xf32, #tpu.memory_space<vmem>>) attributes {dimension_semantics = [#tpu.dimension_semantics<arbitrary>], iteration_bounds = array<i64: 64>, scalar_prefetch = 2 : i64, scratch_operands = 0 : i64, tpu.core_type = #tpu.core_type<tc>, window_params = [{pipeline_mode = #tpu.pipeline_mode<synchronous>, transform_indices = @transform_0, window_bounds = array<i64: 2048, 768>}, {pipeline_mode = #tpu.pipeline_mode<synchronous>, transform_indices = @transform_1, window_bounds = array<i64: 2048, 1>}, {transform_indices = @transform_2, window_bounds = array<i64: 1, 768, 1024>}, {transform_indices = @transform_3, window_bounds = array<i64: 1, 1024, 768>}, {pipeline_mode = #tpu.pipeline_mode<synchronous>, transform_indices = @transform_4, window_bounds = array<i64: 2048, 768>}]} {
    %get3A = arith.index_cast %arg0 : i32 to index
    %get3A_0 = memref.load %arg1[%get3A] : memref<64xi32, #tpu.memory_space<smem>>
    %get3A_1 = arith.index_cast %arg0 : i32 to index
    %get3A_2 = memref.load %arg2[%get3A_1] : memref<64xi32, #tpu.memory_space<smem>>
    %jit3A = arith.constant 128 : i32
    %div3A = arith.divsi %get3A_0, %jit3A : i32
    %sign3A = arith.constant 0 : i32
    %sign3A_3 = arith.cmpi sgt, %get3A_0, %sign3A : i32
    %sign3A_4 = arith.extui %sign3A_3 : i1 to i32
    %sign3A_5 = arith.constant 0 : i32
    %sign3A_6 = arith.cmpi slt, %get3A_0, %sign3A_5 : i32
    %sign3A_7 = arith.extui %sign3A_6 : i1 to i32
    %sign3A_8 = arith.subi %sign3A_4, %sign3A_7 : i32
    %sign3A_9 = arith.constant 0 : i32
    %sign3A_10 = arith.cmpi sgt, %jit3A, %sign3A_9 : i32
    %sign3A_11 = arith.extui %sign3A_10 : i1 to i32
    %sign3A_12 = arith.constant 0 : i32
    %sign3A_13 = arith.cmpi slt, %jit3A, %sign3A_12 : i32
    %sign3A_14 = arith.extui %sign3A_13 : i1 to i32
    %sign3A_15 = arith.subi %sign3A_11, %sign3A_14 : i32
    %ne3A = arith.cmpi ne, %sign3A_8, %sign3A_15 : i32
    %rem3A = arith.remsi %get3A_0, %jit3A : i32
    %ne3A_16 = arith.constant 0 : i32
    %ne3A_17 = arith.cmpi ne, %rem3A, %ne3A_16 : i32
    %and3A = arith.andi %ne3A, %ne3A_17 : i1
    %sub3A = arith.constant 1 : i32
    %sub3A_18 = arith.subi %div3A, %sub3A : i32
    %select_n3A = arith.select %and3A, %sub3A_18, %div3A : i32
    %add3A = arith.addi %get3A_0, %get3A_2 : i32
    %add3A_19 = arith.constant 128 : i32
    %add3A_20 = arith.addi %add3A, %add3A_19 : i32
    %sub3A_21 = arith.constant 1 : i32
    %sub3A_22 = arith.subi %add3A_20, %sub3A_21 : i32
    %div3A_23 = arith.constant 128 : i32
    %div3A_24 = arith.divsi %sub3A_22, %div3A_23 : i32
    %get3A_25 = arith.constant 0 : index
    %get3A_26 = arith.constant 0 : index
    %get3A_27 = arith.constant 0 : index
    %get3A_28 = vector.load %arg5[%get3A_25, %get3A_26, %get3A_27] : memref<1x768x1024xf32, #tpu.memory_space<vmem>>, vector<1x768x1024xf32>
    %get3A_29 = vector.shape_cast %get3A_28 : vector<1x768x1024xf32> to vector<768x1024xf32>
    %get3A_30 = arith.constant 0 : index
    %get3A_31 = arith.constant 0 : index
    %get3A_32 = arith.constant 0 : index
    %get3A_33 = vector.load %arg6[%get3A_30, %get3A_31, %get3A_32] : memref<1x1024x768xf32, #tpu.memory_space<vmem>>, vector<1x1024x768xf32>
    %get3A_34 = vector.shape_cast %get3A_33 : vector<1x1024x768xf32> to vector<1024x768xf32>
    %sub3A_35 = arith.subi %div3A_24, %select_n3A : i32
    %while3A = arith.constant 0 : i32
    %while3A_36 = arith.constant 0 : i32
    %while3A_37 = arith.subi %sub3A_35, %while3A : i32
    %while3A_38 = arith.addi %while3A, %while3A_37 : i32
    %while3A_39 = arith.constant 1 : i32
    %while3A_40 = arith.divsi %while3A_37, %while3A_39 : i32
    %while3A_41 = arith.muli %while3A_40, %while3A_39 : i32
    %while3A_42 = arith.addi %while3A, %while3A_41 : i32
    %while3A_43 = arith.constant 1 : i32
    %while3A_44 = scf.for %while3A_47 = %while3A to %while3A_42 step %while3A_43 iter_args(%while3A_48 = %while3A_36) -> (i32)  : i32 {
      %add3A_49 = arith.addi %select_n3A, %while3A_47 : i32
      %mul3A = arith.constant 128 : i32
      %mul3A_50 = arith.muli %add3A_49, %mul3A : i32
      %get3A_51 = arith.index_cast %mul3A_50 : i32 to index
      %get3A_52 = arith.constant 0 : index
      %get3A_53 = vector.load %arg3[%get3A_51, %get3A_52] : memref<2048x768xf32, #tpu.memory_space<vmem>>, vector<128x768xf32>
      %dot_general3A = arith.constant dense<0.000000e+00> : vector<128x1024xf32>
      %dot_general3A_54 = tpu.matmul %get3A_53, %get3A_29, %dot_general3A {dimension_numbers = #tpu.dot_dimension_numbers<[1], [0], [0], [1], [0, 0, 1, 1], [], []>, transpose_lhs_hint = false} : vector<128x768xf32>, vector<768x1024xf32>, vector<128x1024xf32> -> vector<128x1024xf32>
      %logistic3A = arith.negf %dot_general3A_54 : vector<128x1024xf32>
      %logistic3A_55 = math.exp %logistic3A : vector<128x1024xf32>
      %logistic3A_56 = arith.constant 1.000000e+00 : f32
      %logistic3A_57 = vector.broadcast %logistic3A_56 : f32 to vector<128x1024xf32>
      %logistic3A_58 = arith.addf %logistic3A_57, %logistic3A_55 : vector<128x1024xf32>
      %logistic3A_59 = arith.divf %logistic3A_57, %logistic3A_58 : vector<128x1024xf32>
      %mul3A_60 = arith.mulf %dot_general3A_54, %logistic3A_59 : vector<128x1024xf32>
      %dot_general3A_61 = arith.constant dense<0.000000e+00> : vector<128x768xf32>
      %dot_general3A_62 = tpu.matmul %mul3A_60, %get3A_34, %dot_general3A_61 {dimension_numbers = #tpu.dot_dimension_numbers<[1], [0], [0], [1], [0, 0, 1, 1], [], []>, transpose_lhs_hint = false} : vector<128x1024xf32>, vector<1024x768xf32>, vector<128x768xf32> -> vector<128x768xf32>
      %get3A_63 = arith.index_cast %mul3A_50 : i32 to index
      %get3A_64 = arith.constant 0 : index
      %get3A_65 = vector.load %arg4[%get3A_63, %get3A_64] : memref<2048x1xf32, #tpu.memory_space<vmem>>, vector<128x1xf32>
      %mul3A_66 = vector.broadcast %get3A_65 : vector<128x1xf32> to vector<128x768xf32>
      %mul3A_67 = arith.mulf %dot_general3A_62, %mul3A_66 : vector<128x768xf32>
      %iota3A = tpu.iota {dimensions = array<i32: 0>} : vector<128x1xi32>
      %add3A_68 = vector.broadcast %mul3A_50 : i32 to vector<128x1xi32>
      %add3A_69 = arith.addi %add3A_68, %iota3A : vector<128x1xi32>
      %ge3A = vector.broadcast %get3A_0 : i32 to vector<128x1xi32>
      %ge3A_70 = arith.cmpi sge, %add3A_69, %ge3A : vector<128x1xi32>
      %add3A_71 = arith.addi %get3A_0, %get3A_2 : i32
      %lt3A = vector.broadcast %add3A_71 : i32 to vector<128x1xi32>
      %lt3A_72 = arith.cmpi slt, %add3A_69, %lt3A : vector<128x1xi32>
      %and3A_73 = arith.andi %ge3A_70, %lt3A_72 : vector<128x1xi1>
      %get3A_74 = arith.index_cast %mul3A_50 : i32 to index
      %get3A_75 = arith.constant 0 : index
      %get3A_76 = vector.load %arg7[%get3A_74, %get3A_75] : memref<2048x768xf32, #tpu.memory_space<vmem>>, vector<128x768xf32>
      %broadcast_in_dim3A = vector.shape_cast %and3A_73 : vector<128x1xi1> to vector<128x1xi1>
      %broadcast_in_dim3A_77 = vector.broadcast %broadcast_in_dim3A : vector<128x1xi1> to vector<128x768xi1>
      %select_n3A_78 = arith.select %broadcast_in_dim3A_77, %mul3A_67, %get3A_76 : vector<128x768xi1>, vector<128x768xf32>
      %swap3A = arith.index_cast %mul3A_50 : i32 to index
      %swap3A_79 = arith.constant 0 : index
      %swap3A_80 = vector.load %arg7[%swap3A, %swap3A_79] : memref<2048x768xf32, #tpu.memory_space<vmem>>, vector<128x768xf32>
      tpu.vector_store %arg7[%swap3A, %swap3A_79], %select_n3A_78 {strides = array<i32>} : memref<2048x768xf32, #tpu.memory_space<vmem>>, vector<128x768xf32>,
      %while3A_81 = arith.constant 0 : i32
      scf.yield %while3A_81 : i32
    }
    %while3A_45 = arith.constant 1 : i32
    %while3A_46 = scf.for %while3A_47 = %while3A_42 to %while3A_38 step %while3A_45 iter_args(%while3A_48 = %while3A_44) -> (i32)  : i32 {
      %add3A_49 = arith.addi %select_n3A, %while3A_47 : i32
      %mul3A = arith.constant 128 : i32
      %mul3A_50 = arith.muli %add3A_49, %mul3A : i32
      %get3A_51 = arith.index_cast %mul3A_50 : i32 to index
      %get3A_52 = arith.constant 0 : index
      %get3A_53 = vector.load %arg3[%get3A_51, %get3A_52] : memref<2048x768xf32, #tpu.memory_space<vmem>>, vector<128x768xf32>
      %dot_general3A = arith.constant dense<0.000000e+00> : vector<128x1024xf32>
      %dot_general3A_54 = tpu.matmul %get3A_53, %get3A_29, %dot_general3A {dimension_numbers = #tpu.dot_dimension_numbers<[1], [0], [0], [1], [0, 0, 1, 1], [], []>, transpose_lhs_hint = false} : vector<128x768xf32>, vector<768x1024xf32>, vector<128x1024xf32> -> vector<128x1024xf32>
      %logistic3A = arith.negf %dot_general3A_54 : vector<128x1024xf32>
      %logistic3A_55 = math.exp %logistic3A : vector<128x1024xf32>
      %logistic3A_56 = arith.constant 1.000000e+00 : f32
      %logistic3A_57 = vector.broadcast %logistic3A_56 : f32 to vector<128x1024xf32>
      %logistic3A_58 = arith.addf %logistic3A_57, %logistic3A_55 : vector<128x1024xf32>
      %logistic3A_59 = arith.divf %logistic3A_57, %logistic3A_58 : vector<128x1024xf32>
      %mul3A_60 = arith.mulf %dot_general3A_54, %logistic3A_59 : vector<128x1024xf32>
      %dot_general3A_61 = arith.constant dense<0.000000e+00> : vector<128x768xf32>
      %dot_general3A_62 = tpu.matmul %mul3A_60, %get3A_34, %dot_general3A_61 {dimension_numbers = #tpu.dot_dimension_numbers<[1], [0], [0], [1], [0, 0, 1, 1], [], []>, transpose_lhs_hint = false} : vector<128x1024xf32>, vector<1024x768xf32>, vector<128x768xf32> -> vector<128x768xf32>
      %get3A_63 = arith.index_cast %mul3A_50 : i32 to index
      %get3A_64 = arith.constant 0 : index
      %get3A_65 = vector.load %arg4[%get3A_63, %get3A_64] : memref<2048x1xf32, #tpu.memory_space<vmem>>, vector<128x1xf32>
      %mul3A_66 = vector.broadcast %get3A_65 : vector<128x1xf32> to vector<128x768xf32>
      %mul3A_67 = arith.mulf %dot_general3A_62, %mul3A_66 : vector<128x768xf32>
      %iota3A = tpu.iota {dimensions = array<i32: 0>} : vector<128x1xi32>
      %add3A_68 = vector.broadcast %mul3A_50 : i32 to vector<128x1xi32>
      %add3A_69 = arith.addi %add3A_68, %iota3A : vector<128x1xi32>
      %ge3A = vector.broadcast %get3A_0 : i32 to vector<128x1xi32>
      %ge3A_70 = arith.cmpi sge, %add3A_69, %ge3A : vector<128x1xi32>
      %add3A_71 = arith.addi %get3A_0, %get3A_2 : i32
      %lt3A = vector.broadcast %add3A_71 : i32 to vector<128x1xi32>
      %lt3A_72 = arith.cmpi slt, %add3A_69, %lt3A : vector<128x1xi32>
      %and3A_73 = arith.andi %ge3A_70, %lt3A_72 : vector<128x1xi1>
      %get3A_74 = arith.index_cast %mul3A_50 : i32 to index
      %get3A_75 = arith.constant 0 : index
      %get3A_76 = vector.load %arg7[%get3A_74, %get3A_75] : memref<2048x768xf32, #tpu.memory_space<vmem>>, vector<128x768xf32>
      %broadcast_in_dim3A = vector.shape_cast %and3A_73 : vector<128x1xi1> to vector<128x1xi1>
      %broadcast_in_dim3A_77 = vector.broadcast %broadcast_in_dim3A : vector<128x1xi1> to vector<128x768xi1>
      %select_n3A_78 = arith.select %broadcast_in_dim3A_77, %mul3A_67, %get3A_76 : vector<128x768xi1>, vector<128x768xf32>
      %swap3A = arith.index_cast %mul3A_50 : i32 to index
      %swap3A_79 = arith.constant 0 : index
      %swap3A_80 = vector.load %arg7[%swap3A, %swap3A_79] : memref<2048x768xf32, #tpu.memory_space<vmem>>, vector<128x768xf32>
      tpu.vector_store %arg7[%swap3A, %swap3A_79], %select_n3A_78 {strides = array<i32>} : memref<2048x768xf32, #tpu.memory_space<vmem>>, vector<128x768xf32>,
      %while3A_81 = arith.constant 0 : i32
      scf.yield %while3A_81 : i32
    }
    return
  }
  func.func @transform_0(%arg0: i32, %arg1: memref<64xi32, #tpu.memory_space<smem>>, %arg2: memref<64xi32, #tpu.memory_space<smem>>) -> (i32, i32) {
    %c0_i32 = arith.constant 0 : i32
    %c0_i32_0 = arith.constant 0 : i32
    %c0_i32_1 = arith.constant 0 : i32
    return %c0_i32, %c0_i32_0 : i32, i32
  }
  func.func @transform_1(%arg0: i32, %arg1: memref<64xi32, #tpu.memory_space<smem>>, %arg2: memref<64xi32, #tpu.memory_space<smem>>) -> (i32, i32) {
    %c0_i32 = arith.constant 0 : i32
    %c0_i32_0 = arith.constant 0 : i32
    %c0_i32_1 = arith.constant 0 : i32
    return %c0_i32, %c0_i32_0 : i32, i32
  }
  func.func @transform_2(%arg0: i32, %arg1: memref<64xi32, #tpu.memory_space<smem>>, %arg2: memref<64xi32, #tpu.memory_space<smem>>) -> (i32, i32, i32) {
    %c0_i32 = arith.constant 0 : i32
    %c0_i32_0 = arith.constant 0 : i32
    %c0_i32_1 = arith.constant 0 : i32
    return %arg0, %c0_i32, %c0_i32_0 : i32, i32, i32
  }
  func.func @transform_3(%arg0: i32, %arg1: memref<64xi32, #tpu.memory_space<smem>>, %arg2: memref<64xi32, #tpu.memory_space<smem>>) -> (i32, i32, i32) {
    %c0_i32 = arith.constant 0 : i32
    %c0_i32_0 = arith.constant 0 : i32
    %c0_i32_1 = arith.constant 0 : i32
    return %arg0, %c0_i32, %c0_i32_0 : i32, i32, i32
  }
  func.func @transform_4(%arg0: i32, %arg1: memref<64xi32, #tpu.memory_space<smem>>, %arg2: memref<64xi32, #tpu.memory_space<smem>>) -> (i32, i32) {
    %c0_i32 = arith.constant 0 : i32
    %c0_i32_0 = arith.constant 0 : i32
    %c0_i32_1 = arith.constant 0 : i32
    return %c0_i32, %c0_i32_0 : i32, i32
  }
}

</mosaic_0001>

<sc_bundles>
// kernel: kernel.5.cloned.1.call-start
scs
__scs_entry_jumppad:
0x0: {  	(pc) =	sbr.rel $0x88, $3  }
0x1: {  	(tag) =	ssettag $0x0;
	lr =	simm.s32 $0x1  }
0x2: {  	[smem:$0x3F9C] =	sst lr;
	_ =	strace $0xD0000000  }
0x3: {  	_ = 	snop  }
0x4: {  	_ = 	snop  }
0x5: {  	_ = 	snop  }
0x6: {  	_ = 	snop  }
0x7: {  	_ = 	snop  }
__scs_overlays_trampoline_lowered:
0x8: {  	[smem:$0x3FAB] =	sst s0  }
0x9: {  	[smem:$0x3FAC] =	sst s1  }
0xa: {  	[smem:$0x3FAD] =	sst s2  }
0xb: {  	[smem:$0x3FAE] =	sst s3  }
0xc: {  	[smem:$0x3FAF] =	sst s4  }
0xd: {  	[smem:$0x3FB0] =	sst s5  }
0xe: {  	[smem:$0x3FB1] =	sst s6  }
0xf: {  	[smem:$0x3FB2] =	sst s7  }
0x10: {  	[smem:$0x3FB3] =	sst s8  }
0x11: {  	[smem:$0x3FB4] =	sst s9;
	s0 =	simm.s32 @!p0 $0x0  }
0x12: {  	s1 =	sld [smem:$0x3F9A];
	s0 =	simm.s32 @p0 $0x1  }
0x13: {  	[smem:$0x3FB5] =	sst s0;
	s0 =	simm.s32 @!p1 $0x0  }
0x14: {  	s2 =	sld [smem:$0x3F99];
	s0 =	simm.s32 @p1 $0x1  }
0x15: {  	[smem:$0x3FB6] =	sst s0;
	s0 =	simm.s32 @!p2 $0x0  }
0x16: {  	s3 =	sld [smem:$0x3FDB];
	s0 =	simm.s32 @p2 $0x1  }
0x17: {  	s4 =	simm.s32 $0x1BF5;
	[smem:$0x3FB8] =	sst s0  }
0x18: {  	s0 =	sld [smem:$0x3F9B];
	_ =	swait.ge [sflag:s4], $0x0  }
0x19: {  	s7 =	sld [smem:$0x3F9C]  }
0x1a: {  	s8 =	sadd.s32 $0xFFFFE003, lr  }
0x1b: {  	s9 =	sadd.s32 $0xFFFFFEF7, lr;
	s5 =	simm.s32 $0xFFFFFFFF;
	p2 =	slt.u32 s8, $0xFFFFF086  }
0x1c: {  	p1 =	slt.u32 s9, $0xF7A;
	s5 =	simm.s32 @!p2 $0x0  }
0x1d: {  	s5 =	simm.s32 @p1 $0x1;
	p0 =	seq.s32 s7, s2  }
0x1e: {  	s7 =	smul.u32 @!p0 $0xF7A, s2;
	p2 =	seq.s32 @!p0 s5, $0x0  }
0x1f: {  	s9 =	smul.u32 $0xF7A, s1;
	s8 =	simm.s32 @!p0 $0x1BF5;
	p2 =	por !p2, p0  }
0x20: {  	[sflag:s8] =	ssyncset.s32 @!p0 $0xFFFFF086;
	s6 =	sadd.s32 @!p0 s3, s7;
	s7 =	simm.s32 @!p0 $0x108  }
0x21: {  	s3 =	sadd.s32 s3, s9;
	s6 =	sadd.s32 @!p0 $0x88, s6;
	s7 =	simm.s32 @p2 $0x1082  }
0x22: {  	[simem:s7], [sflag:s8] =	dma.local @!p0 [hbm:s6], $0xF7A  }
0x23: {  	s9 =	sor.u32 $0xD0000000, s2;
	s6 =	simm.s32 $0x108;
	_ =	swait.ge @!p0 [sflag:s8], $0x0  }
0x24: {  	s3 =	sadd.s32 $0x88, s3;
	s6 =	simm.s32 @!p1 $0x1082;
	[sflag:s4] =	ssyncset.s32 $0xFFFFF086  }
0x25: {  	[simem:s6], [sflag:s4] =	dma.local [hbm:s3], $0xF7A  }
0x26: {  	[smem:$0x3F9C] =	sst s1;
	(tag) =	ssettag s2;
	_ =	strace s9  }
0x27: {  	s1 =	sld [smem:$0x3FAC]  }
0x28: {  	s2 =	sld [smem:$0x3FAD]  }
0x29: {  	s4 =	sld [smem:$0x3FAF]  }
0x2a: {  	p0 =	seq.s32 s5, $0x0;
	s5 =	sld [smem:$0x3FB0]  }
0x2b: {  	s6 =	sld [smem:$0x3FB1]  }
0x2c: {  	s7 =	sld [smem:$0x3FB2]  }
0x2d: {  	s3 =	simm.s32 $0x108;
	s8 =	sld [smem:$0x3FB3]  }
0x2e: {  	s3 =	simm.s32 @!p0 $0x1082;
	s9 =	sld [smem:$0x3FB4]  }
0x2f: {  	lr =	sadd.s32 s0, s3;
	s0 =	sld [smem:$0x3FAB]  }
0x30: {  	s3 =	sld [smem:$0x3FAE]  }
0x31: {  	[smem:$0x3FB7] =	sst s10  }
0x32: {  	s10 =	sld [smem:$0x3FB5];
	_ =	sdelay $0x3  }
0x33: {  	p0 =	seq.s32 s10, $0x1;
	s10 =	sld [smem:$0x3FB7];
	_ =	sdelay $0x3  }
0x34: {  	[smem:$0x3FB7] =	sst s10  }
0x35: {  	s10 =	sld [smem:$0x3FB6];
	_ =	sdelay $0x3  }
0x36: {  	p1 =	seq.s32 s10, $0x1;
	s10 =	sld [smem:$0x3FB7];
	_ =	sdelay $0x3  }
0x37: {  	[smem:$0x3FB7] =	sst s10  }
0x38: {  	s10 =	sld [smem:$0x3FB8]  }
0x39: {  	_ = 	snop;
	(pc) =	sbr.ind lr, $3  }
0x3a: {  	_ = 	snop  }
0x3b: {  	_ = 	snop  }
0x3c: {  	p2 =	seq.s32 s10, $0x1;
	s10 =	sld [smem:$0x3FB7]  }
0x3d: {  	_ =	shalt  }
0x3e: {  	_ =	shalt  }
0x3f: {  	_ =	shalt  }
0x40: {  	_ =	shalt  }
0x41: {  	_ =	shalt  }
0x42: {  	_ =	shalt  }
0x43: {  	_ =	shalt  }
0x44: {  	_ =	shalt  }
0x45: {  	_ =	shalt  }
0x46: {  	_ =	shalt  }
0x47: {  	_ =	shalt  }
0x48: {  	_ =	shalt  }
0x49: {  	_ =	shalt  }
0x4a: {  	_ =	shalt  }
0x4b: {  	_ =	shalt  }
0x4c: {  	_ =	shalt  }
0x4d: {  	_ =	shalt  }
0x4e: {  	_ =	shalt  }
0x4f: {  	_ =	shalt  }
0x50: {  	_ =	shalt  }
0x51: {  	_ =	shalt  }
0x52: {  	_ =	shalt  }
0x53: {  	_ =	shalt  }
0x54: {  	_ =	shalt  }
0x55: {  	_ =	shalt  }
0x56: {  	_ =	shalt  }
0x57: {  	_ =	shalt  }
0x58: {  	_ =	shalt  }
0x59: {  	_ =	shalt  }
0x5a: {  	_ =	shalt  }
0x5b: {  	_ =	shalt  }
0x5c: {  	_ =	shalt  }
0x5d: {  	_ =	shalt  }
0x5e: {  	_ =	shalt  }
0x5f: {  	_ =	shalt  }
0x60: {  	_ =	shalt  }
0x61: {  	_ =	shalt  }
0x62: {  	_ =	shalt  }
0x63: {  	_ =	shalt  }
0x64: {  	_ =	shalt  }
0x65: {  	_ =	shalt  }
0x66: {  	_ =	shalt  }
0x67: {  	_ =	shalt  }
0x68: {  	_ =	shalt  }
0x69: {  	_ =	shalt  }
0x6a: {  	_ =	shalt  }
0x6b: {  	_ =	shalt  }
0x6c: {  	_ =	shalt  }
0x6d: {  	_ =	shalt  }
0x6e: {  	_ =	shalt  }
0x6f: {  	_ =	shalt  }
0x70: {  	_ =	shalt  }
0x71: {  	_ =	shalt  }
0x72: {  	_ =	shalt  }
0x73: {  	_ =	shalt  }
0x74: {  	_ =	shalt  }
0x75: {  	_ =	shalt  }
0x76: {  	_ =	shalt  }
0x77: {  	_ =	shalt  }
0x78: {  	_ =	shalt  }
0x79: {  	_ =	shalt  }
0x7a: {  	_ =	shalt  }
0x7b: {  	_ =	shalt  }
0x7c: {  	_ =	shalt  }
0x7d: {  	_ =	shalt  }
0x7e: {  	_ =	shalt  }
0x7f: {  	_ =	shalt  }
0x80: {  	_ =	shalt  }
0x81: {  	_ =	shalt  }
0x82: {  	_ =	shalt  }
0x83: {  	_ =	shalt  }
0x84: {  	_ =	shalt  }
0x85: {  	_ =	shalt  }
0x86: {  	_ =	shalt  }
0x87: {  	_ =	shalt  }
.Lfunc_end0:
.L_simem_size_0:
called_computation_lowered:
.L_overlay_start_0:
0x88: {  	s2 =	sld [smem:$0x3FD9]  }
0x89: {  	s3 =	sld [smem:$0x3FFE];
	_ =	sdelay $0x1  }
0x8a: {  	s1 =	srdreg.scid  }
0x8b: {  	s0 =	sand.u32 $0x1, s1  }
0x8c: {  	s14 =	sshll.u32 s0, $0xA;
	s2 =	sadd.s32 s3, s2  }
0x8d: {  	s2 =	sadd.s32 s2, s14  }
0x8e: {  	[smem:$0x3FC3] =	sst s2  }
0x8f: {  	_ = 	snop  }
0x90: {  	s2 =	sld [smem:$0x3FD0]  }
0x91: {  	s15 =	sld [smem:$0x3FC9]  }
0x92: {  	s4 =	sld [smem:$0x3FC8]  }
0x93: {  	s6 =	simm.s32 $0xA;
	s7 =	simm.s32 $0x10;
	s5 =	sld [smem:$0x3FC7]  }
0x94: {  	[smem:s7], [sflag:s6] =	dma.local [hbm:s2], $0x1  }
0x95: {  	_ =	swait.eq [sflag:s6], $0x1  }
0x96: {  	[sflag:s6] =	ssyncset.done $0x0  }
0x97: {  	s16 =	sld [smem:$0x10];
	[sflag:s6] =	ssyncadd.s32 $0xFFFFFFFF  }
0x98: {  	s17 =	sld [smem:$0x11];
	(tm) =	ssettm $0x1  }
0x99: {  	s18 =	sld [smem:$0x3FFB];
	_ =	sdelay $0x3  }
0x9a: {  	_ =	strace s18  }
0x9b: {  	s7 =	sld [smem:$0x3FFC];
	_ =	sdelay $0x3  }
0x9c: {  	_ =	strace s7  }
0x9d: {  	s7 =	sld [smem:$0x3FFD];
	_ =	sdelay $0x3  }
0x9e: {  	_ =	strace s7  }
0x9f: {  	_ =	strace $0x8FFFFFFF  }
0xa0: {  	s19 =	sld [smem:$0x3FDB];
	_ =	sdelay $0x1  }
0xa1: {  	s8 =	simm.s32 $_scs_section_size  }
0xa2: {  	s9 =	simm.s32 $_size__tile_overlayer_lowered;
	s10 =	simm.s32 $_tile_overlayer_lowered  }
0xa3: {  	s22 =	simm.s32 $0x1BFF;
	s21 =	sshll.u32 s10, $0x1;
	s7 =	sadd.s32 s8, s19  }
0xa4: {  	s11 =	simm.s32 $0x0;
	s20 =	sshll.u32 s9, $0x1;
	s9 =	sadd.s32 s21, s7  }
0xa5: {  	[timem:s11], [sflag:s22] =	dma.local [hbm:s9], s20  }
0xa6: {  	_ =	swait.ge [sflag:s22], s20  }
0xa7: {  	s8 =	ssub.s32 $0x0, s20;
	[sflag:s22] =	ssyncset.done $0x0  }
0xa8: {  	[sflag:s22] =	ssyncadd.s32 s8;
	_ =	sdelay $0x1  }
0xa9: {  	s23 =	simm.s32 $0x1B8B  }
0xaa: {  	_ =	swait.ge [sflag:s23], $0x1  }
0xab: {  	[sflag:s23] =	ssyncset.done $0x0  }
0xac: {  	s25 =	simm.s32 $0x1B8E;
	s24 =	sld [smem:$0x3FFE];
	[sflag:s23] =	ssyncadd.s32 $0xFFFFFFFF  }
0xad: {  	s26 =	simm.s32 $execute0_lowered;
	[smem:$0x3FD2] =	sst s25  }
0xae: {  	s9 =	sshll.u32 s26, $0x1;
	_ =	strace $0x80000046;
	[dreg:$0x1] =	wrdreg $0xFFFFFFFF  }
0xaf: {  	s28 =	simm.s32 $_size_execute0_lowered;
	s7 =	sadd.s32 s7, s9;
	[dreg:$0x0] =	wrdreg $0x0  }
0xb0: {  	s9 =	sshll.u32 s28, $0x1;
	[dreg:$0x2] =	wrdreg s7  }
0xb1: {  	[dreg:$0x3] =	wrdreg s9  }
0xb2: {  	[dreg:$0x4] =	wrdreg $0xC0  }
0xb3: {  	_ =	task [dreg:s11], $0x5FFFF  }
0xb4: {  	[dreg:$0x1] =	wrdreg $0xFFFFFFFF  }
0xb5: {  	[dreg:$0x0] =	wrdreg $0x60  }
0xb6: {  	[dreg:$0x2] =	wrdreg s5  }
0xb7: {  	[dreg:$0x3] =	wrdreg s15  }
0xb8: {  	[dreg:$0x4] =	wrdreg s4  }
0xb9: {  	[dreg:$0x5] =	wrdreg s16  }
0xba: {  	[dreg:$0x6] =	wrdreg s24  }
0xbb: {  	[dreg:$0x7] =	wrdreg s17  }
0xbc: {  	[dreg:$0x8] =	wrdreg $0x9  }
0xbd: {  	_ =	task.clear_ibuf [dreg:s11], $0x9FFFF;
	_ =	strace $0x90000046  }
0xbe: {  	s29 =	simm.s32 $0x9;
	_ =	strace $0x80000048  }
0xbf: {  	_ =	swait.ge [sflag:s29], $0x1  }
0xc0: {  	[sflag:s29] =	ssyncadd.s32 $0xFFFFFFFF  }
0xc1: {  	_ =	strace $0x90000048  }
0xc2: {  	_ =	sfence  }
0xc3: {  	s30 =	sld [smem:$0x0];
	_ =	sdelay $0x2  }
0xc4: {  	s31 =	sshll.u32 s1, $0xD;
	s1 =	sshrl.u32 s1, $0x2  }
0xc5: {  	s3 =	sand.u32 $0x4000, s31;
	s1 =	sadd.s32 s1, s30  }
0xc6: {  	s0 =	sor.u32 s3, s0;
	s1 =	sshll.u32 s1, $0x11  }
0xc7: {  	s0 =	sor.u32 s1, s0  }
0xc8: {  	s0 =	sadd.s32 $0x8F2B, s0  }
0xc9: {  	[sflag:s0] =	ssyncadd.remote.s32 $0x1  }
0xca: {  	_ =	sfence.sel $0xFFFF  }
0xcb: {  	[dreg:$0x0] =	wrdreg $0xFFFFFFFF;
	(pc) =	sbr.abs _section_cstart, $3  }
0xcc: {  	[dreg:$0x1] =	wrdreg $0xFFFFFFFF  }
0xcd: {  	_ =	task.clear_ibuf [dreg:s11], $0x2FFFF;
	_ =	strace $0x9FFFFFFF  }
0xce: {  	(tm) =	ssettm $0x7FFFFFFF  }
0xcf: {  	_ =	shalt  }
tec
execute0_lowered:
.L_overlay_start_1:
0x0: {  	(tag) =	ssettag $0x1  }
0x1: {  	s0 =	rddreg [dreg:$0x1]  }
0x2: {  	s1 =	rddreg [dreg:$0x2]  }
0x3: {  	s2 =	rddreg [dreg:$0x3]  }
0x4: {  	s3 =	rddreg [dreg:$0x4];
	s5 =	simm.s32 $0x0;
	s4 =	srdreg.scid  }
0x5: {  	s13 =	stileid.u32;
	s18 =	simm.s32 $0x2;
	s19 =	simm.s32 $0x800  }
0x6: {  	s20 =	simm.s32 $0x880;
	s21 =	simm.s32 $0x900;
	s22 =	simm.s32 $0xA00  }
0x7: {  	s23 =	simm.s32 $0xA80;
	s24 =	simm.s32 $0xC280;
	s25 =	simm.s32 $0x1  }
0x8: {  	s28 =	simm.s32 $0x40;
	s29 =	simm.s32 $0x0;
	[smem:$0x7FF] =	sst s5  }
0x9: {  	s4 =	sand.u32 $0x1, s4;
	s6 =	sshll.u32 s13, $0x1;
	s8 =	sadd.s32 $0x1600, s3  }
0xa: {  	s13 =	sshll.u32 s13, $0x9;
	s14 =	sadd.s32 $0x200, s2;
	_ =	strace $0x80000047  }
0xb: {  	v0 =	vimm.s32 $0x0;
	s17 =	sor.u32 s4, s6;
	s6 =	sadd.s32 $0x1400, s3;
	s9 =	ssub.s32 $0x2, s4  }
0xc: {  	v1 =	vimm.s32 $0x10;
	v2 =	vimm.s32 $0x11;
	v3 =	vimm.s32 $0x12;
	s4 =	sshll.u32 s4, $0x8;
	s15 =	sshll.u32 s17, $0x3;
	s10 =	sshrl.u32 s9, $0x1  }
0xd: {  	v4 =	vimm.s32 $0x13;
	v5 =	vimm.s32 $0x14;
	v6 =	vimm.s32 $0x15;
	s7 =	sshll.u32 s17, $0x2;
	s12 =	smul.u32 $0x1800, s17;
	s4 =	sor.u32 s13, s4  }
0xe: {  	v7 =	vimm.s32 $0x16;
	v8 =	vimm.s32 $0x17;
	v9 =	vimm.s32 $0x18;
	s13 =	sadd.s32 $0x100, s2;
	p0 =	sne.s32 s17, $0x0;
	s11 =	sadd.s32 s15, s3  }
.Ltmp0:
0xf: {  	v10 =	vimm.s32 $0x19;
	v11 =	vimm.s32 $0x1A;
	v12 =	vimm.s32 $0x1B;
	s26 =	ssub.s32 s9, s10;
	s9 =	sadd.s32 $0x4, s7;
	(pc) =	sbr.rel .LBB2_1-.Ltmp0, $4  }
0x10: {  	v13 =	vimm.s32 $0x1C;
	v14 =	vimm.s32 $0x1D;
	v15 =	vimm.s32 $0x1E;
	s10 =	sshll.u32 s17, $0x6;
	s30 =	ssub.s32 $0x0, s4;
	s15 =	sadd.s32 s1, s15  }
0x11: {  	v19 =	vlaneseq.u32;
	vm0 =	vmmov $0xffff;
	v17 =	vimm.s32 $0x0;
	s3 =	simm.s32 $0xAA80;
	s1 =	simm.s32 $0xB280;
	s4 =	simm.s32 $0xBA80  }
0x12: {  	v16 =	vimm.s32 $0x1F;
	v17 =	vsel vm0, $0xFFFFFFFF, v17;
	v18 =	vshrl.u32 v19, $0x3;
	s11 =	sadd.s32 $0x1800, s11;
	s12 =	sadd.s32 s0, s12;
	s0 =	sshra.s32 s30, $0x2  }
0x13: {  	[tilespmem:$0x1FFF0] =	vst v17;
	v17 =	vand.u32 $0x7, v19;
	v18 =	vmul.u32 $0x8, v18;
	v19 =	vor.u32 $0x8, v19;
	s16 =	smax.u32 s26, $0x1;
	s26 =	simm.s32 $0xCA80;
	s31 =	sadd.s32 $0x980, s0  }
.LBB2_5:
0x14: {  	v20 =	vld [tilespmem:$0x880]  }
0x15: {  	v21 =	vld [tilespmem:$0x890]  }
0x16: {  	v22 =	vld [tilespmem:$0x8A0];
	_ =	sdelay $0x2  }
0x17: {  	(xrf0) =	vadd.scan.msk.s32 $0xffff, v20  }
0x18: {  	(xrf0) =	vadd.scan.msk.s32 $0xffff, v21  }
0x19: {  	(xrf0) =	vadd.scan.msk.s32 $0xffff, v22;
	_ =	sdelay $0x3  }
0x1a: {  	v23, _, _ =	vpop (xrf0)  }
0x1b: {  	v24, _, _ =	vpop (xrf0);
	(v2sf) =	vpush v23, $0xF  }
0x1c: {  	(v2sf) =	vpush v24, $0xF;
	v25, _, _ =	vpop (xrf0)  }
0x1d: {  	(v2sf) =	vpush v25, $0xF;
	_ =	sdelay $0x3  }
0x1e: {  	v26 =	vld [tilespmem:$0x8B0];
	_ =	sdelay $0x4  }
0x1f: {  	(xrf0) =	vadd.scan.msk.s32 $0xffff, v26;
	_ =	sdelay $0x2  }
0x20: {  	v27 =	vbroadcast v23, $0xF  }
0x21: {  	s0 =	spop (v2sf)  }
0x22: {  	v20 =	vsub.s32 v23, v20;
	v21 =	vsub.s32 v27, v21;
	s17 =	spop (v2sf)  }
0x23: {  	[tilespmem:$0x900] =	vst v20;
	v52 =	vsub.s32 v25, v22;
	v20 =	vadd.s32 v24, v21;
	v53, _, _ =	vpop (xrf0);
	s0 =	sadd.s32 s0, s17;
	s30 =	spop (v2sf)  }
0x24: {  	[tilespmem:$0x910] =	vst v20;
	v54 =	vsub.s32 v53, v26;
	v20 =	vadd.s32 s0, v52;
	s0 =	sadd.s32 s0, s30  }
0x25: {  	[tilespmem:$0x920] =	vst v20;
	v20 =	vadd.s32 s0, v54  }
0x26: {  	[tilespmem:$0x930] =	vst v20  }
0x27: {  	v20 =	vld [tilespmem:s10+$0x0];
	_ =	sdelay $0x6  }
0x28: {  	v55 =	vld [tilespmem:$0x980]  }
0x29: {  	v20 =	vld.idx.msk [tilespmem:v20+s21+$0x0], $0xffff;
	_ =	sdelay $0x4  }
0x2a: {  	v20 =	vadd.s32 v20, v55  }
0x2b: {  	[tilespmem:$0xA00] =	vst v20  }
0x2c: {  	v20 =	vld [tilespmem:s10+$0x10];
	_ =	sdelay $0x6  }
0x2d: {  	v56 =	vld [tilespmem:$0x990]  }
0x2e: {  	v20 =	vld.idx.msk [tilespmem:v20+s21+$0x0], $0xffff;
	_ =	sdelay $0x4  }
0x2f: {  	v20 =	vadd.s32 v20, v56  }
0x30: {  	[tilespmem:$0xA10] =	vst v20  }
0x31: {  	v20 =	vld [tilespmem:s10+$0x20];
	_ =	sdelay $0x6  }
0x32: {  	v57 =	vld [tilespmem:$0x9A0]  }
0x33: {  	v20 =	vld.idx.msk [tilespmem:v20+s21+$0x0], $0xffff;
	_ =	sdelay $0x4  }
0x34: {  	v20 =	vadd.s32 v20, v57  }
0x35: {  	[tilespmem:$0xA20] =	vst v20  }
0x36: {  	v20 =	vld [tilespmem:s10+$0x30];
	_ =	sdelay $0x6  }
0x37: {  	v58 =	vld [tilespmem:$0x9B0]  }
0x38: {  	v20 =	vld.idx.msk [tilespmem:v20+s21+$0x0], $0xffff;
	_ =	sdelay $0x4  }
0x39: {  	v20 =	vadd.s32 v20, v58  }
0x3a: {  	[tilespmem:$0xA30] =	vst v20  }
0x3b: {  	[hbm4b:s11+s5] =	stream.linear.scatter [tilespmem:s22], [sflag:$0x2], $0x40, $0x38;
	[tilespmem:$0xCB00] =	vst v63  }
0x3c: {  	_ =	swait.ge [sflag:s18], $0x40  }
0x3d: {  	[sflag:s18] =	ssyncset.done $0x0  }
0x3e: {  	[sflag:s18] =	ssyncadd.s32 $0xFFFFFFC0  }
0x3f: {  	[tilespmem:s23], [sflag:$0x2] =	stream.linear.gather [hbm4b:s12+s5], $0xC000, $0x38;
	[tilespmem:$0xCB00] =	vst v63  }
0x40: {  	_ =	swait.ge [sflag:s18], $0xC000  }
0x41: {  	[sflag:s18] =	ssyncset.done $0x0  }
0x42: {  	[sflag:s18] =	ssyncadd.s32 $0xFFFF4000  }
0x43: {  	v20 =	vld [tilespmem:$0xA00];
	_ =	sdelay $0x4  }
0x44: {  	v59 =	vshrl.u32 v20, $0x3  }
0x45: {  	v21 =	vmul.u32 $0x30, v59  }
0x46: {  	v20 =	vand.u32 $0x7, v20  }
0x47: {  	v20 =	vor.u32 v20, v21  }
0x48: {  	v21 =	vperm.xlane v20, v17  }
0x49: {  	v60 =	vld [tilespmem:$0x1FFF0]  }
0x4a: {  	v21 =	vadd.s32 v18, v21;
	_ =	sdelay $0x3  }
0x4b: {  	vm0 =	vnez.u8 v60;
	v20 =	vperm.xlane v20, v19  }
0x4c: {  	[hbm4b:s2+s5] =	stream.indirect_vreg.scatter [tilespmem:s23], [sflag:$0x1], $0x80, v21, vm0, $0xb8;
	[tilespmem:$0xCB00] =	vst v63  }
0x4d: {  	s30 =	simm.s32 $0x1280;
	v20 =	vadd.s32 v18, v20  }
0x4e: {  	[hbm4b:s13+s5] =	stream.indirect_vreg.scatter [tilespmem:s30], [sflag:$0x1], $0x80, v21, vm0, $0xb8;
	[tilespmem:$0xCB00] =	vst v63  }
0x4f: {  	s17 =	simm.s32 $0x1A80  }
0x50: {  	[hbm4b:s14+s5] =	stream.indirect_vreg.scatter [tilespmem:s17], [sflag:$0x1], $0x80, v21, vm0, $0xb8;
	[tilespmem:$0xCB00] =	vst v63  }
0x51: {  	s30 =	simm.s32 $0x2280  }
0x52: {  	[hbm4b:s2+s5] =	stream.indirect_vreg.scatter [tilespmem:s30], [sflag:$0x1], $0x80, v20, vm0, $0xb8;
	[tilespmem:$0xCB00] =	vst v63  }
0x53: {  	s17 =	simm.s32 $0x2A80  }
0x54: {  	[hbm4b:s13+s5] =	stream.indirect_vreg.scatter [tilespmem:s17], [sflag:$0x1], $0x80, v20, vm0, $0xb8;
	[tilespmem:$0xCB00] =	vst v63  }
0x55: {  	s30 =	simm.s32 $0x3280  }
0x56: {  	[hbm4b:s14+s5] =	stream.indirect_vreg.scatter [tilespmem:s30], [sflag:$0x1], $0x80, v20, vm0, $0xb8;
	[tilespmem:$0xCB00] =	vst v63  }
0x57: {  	v20 =	vld [tilespmem:$0xA10];
	_ =	sdelay $0x4  }
0x58: {  	v61 =	vshrl.u32 v20, $0x3  }
0x59: {  	v21 =	vmul.u32 $0x30, v61  }
0x5a: {  	v20 =	vand.u32 $0x7, v20  }
0x5b: {  	v20 =	vor.u32 v20, v21  }
0x5c: {  	v21 =	vperm.xlane v20, v17;
	_ =	sdelay $0x1  }
0x5d: {  	v21 =	vadd.s32 v18, v21;
	_ =	sdelay $0x3  }
0x5e: {  	s17 =	simm.s32 $0x3A80;
	v20 =	vperm.xlane v20, v19  }
0x5f: {  	[hbm4b:s2+s5] =	stream.indirect_vreg.scatter [tilespmem:s17], [sflag:$0x1], $0x80, v21, vm0, $0xb8;
	[tilespmem:$0xCB00] =	vst v63  }
0x60: {  	s30 =	simm.s32 $0x4280;
	v20 =	vadd.s32 v18, v20  }
0x61: {  	[hbm4b:s13+s5] =	stream.indirect_vreg.scatter [tilespmem:s30], [sflag:$0x1], $0x80, v21, vm0, $0xb8;
	[tilespmem:$0xCB00] =	vst v63  }
0x62: {  	s17 =	simm.s32 $0x4A80  }
0x63: {  	[hbm4b:s14+s5] =	stream.indirect_vreg.scatter [tilespmem:s17], [sflag:$0x1], $0x80, v21, vm0, $0xb8;
	[tilespmem:$0xCB00] =	vst v63  }
0x64: {  	s30 =	simm.s32 $0x5280  }
0x65: {  	[hbm4b:s2+s5] =	stream.indirect_vreg.scatter [tilespmem:s30], [sflag:$0x1], $0x80, v20, vm0, $0xb8;
	[tilespmem:$0xCB00] =	vst v63  }
0x66: {  	s17 =	simm.s32 $0x5A80  }
0x67: {  	[hbm4b:s13+s5] =	stream.indirect_vreg.scatter [tilespmem:s17], [sflag:$0x1], $0x80, v20, vm0, $0xb8;
	[tilespmem:$0xCB00] =	vst v63  }
0x68: {  	s30 =	simm.s32 $0x6280  }
0x69: {  	[hbm4b:s14+s5] =	stream.indirect_vreg.scatter [tilespmem:s30], [sflag:$0x1], $0x80, v20, vm0, $0xb8;
	[tilespmem:$0xCB00] =	vst v63  }
0x6a: {  	v20 =	vld [tilespmem:$0xA20];
	_ =	sdelay $0x4  }
0x6b: {  	v62 =	vshrl.u32 v20, $0x3  }
0x6c: {  	v21 =	vmul.u32 $0x30, v62  }
0x6d: {  	v20 =	vand.u32 $0x7, v20  }
0x6e: {  	v20 =	vor.u32 v20, v21  }
0x6f: {  	v21 =	vperm.xlane v20, v17;
	_ =	sdelay $0x1  }
0x70: {  	v21 =	vadd.s32 v18, v21;
	_ =	sdelay $0x3  }
0x71: {  	s17 =	simm.s32 $0x6A80;
	v20 =	vperm.xlane v20, v19  }
0x72: {  	[hbm4b:s2+s5] =	stream.indirect_vreg.scatter [tilespmem:s17], [sflag:$0x1], $0x80, v21, vm0, $0xb8;
	[tilespmem:$0xCB00] =	vst v63  }
0x73: {  	s30 =	simm.s32 $0x7280;
	v20 =	vadd.s32 v18, v20  }
0x74: {  	[hbm4b:s13+s5] =	stream.indirect_vreg.scatter [tilespmem:s30], [sflag:$0x1], $0x80, v21, vm0, $0xb8;
	[tilespmem:$0xCB00] =	vst v63  }
0x75: {  	s17 =	simm.s32 $0x7A80  }
0x76: {  	[hbm4b:s14+s5] =	stream.indirect_vreg.scatter [tilespmem:s17], [sflag:$0x1], $0x80, v21, vm0, $0xb8;
	[tilespmem:$0xCB00] =	vst v63  }
0x77: {  	s30 =	simm.s32 $0x8280  }
0x78: {  	[hbm4b:s2+s5] =	stream.indirect_vreg.scatter [tilespmem:s30], [sflag:$0x1], $0x80, v20, vm0, $0xb8;
	[tilespmem:$0xCB00] =	vst v63  }
0x79: {  	s17 =	simm.s32 $0x8A80  }
0x7a: {  	[hbm4b:s13+s5] =	stream.indirect_vreg.scatter [tilespmem:s17], [sflag:$0x1], $0x80, v20, vm0, $0xb8;
	[tilespmem:$0xCB00] =	vst v63  }
0x7b: {  	s30 =	simm.s32 $0x9280  }
0x7c: {  	[hbm4b:s14+s5] =	stream.indirect_vreg.scatter [tilespmem:s30], [sflag:$0x1], $0x80, v20, vm0, $0xb8;
	[tilespmem:$0xCB00] =	vst v63  }
0x7d: {  	v20 =	vld [tilespmem:$0xA30];
	_ =	sdelay $0x4  }
0x7e: {  	v63 =	vshrl.u32 v20, $0x3  }
0x7f: {  	v21 =	vmul.u32 $0x30, v63  }
0x80: {  	v20 =	vand.u32 $0x7, v20  }
0x81: {  	v20 =	vor.u32 v20, v21  }
0x82: {  	v21 =	vperm.xlane v20, v17;
	_ =	sdelay $0x1  }
0x83: {  	v21 =	vadd.s32 v18, v21;
	_ =	sdelay $0x3  }
0x84: {  	s17 =	simm.s32 $0x9A80;
	v20 =	vperm.xlane v20, v19  }
0x85: {  	[hbm4b:s2+s5] =	stream.indirect_vreg.scatter [tilespmem:s17], [sflag:$0x1], $0x80, v21, vm0, $0xb8;
	[tilespmem:$0xCB00] =	vst v63  }
0x86: {  	s30 =	simm.s32 $0xA280;
	v20 =	vadd.s32 v18, v20  }
0x87: {  	[hbm4b:s13+s5] =	stream.indirect_vreg.scatter [tilespmem:s30], [sflag:$0x1], $0x80, v21, vm0, $0xb8;
	[tilespmem:$0xCB00] =	vst v63  }
0x88: {  	_ = 	snop  }
0x89: {  	[hbm4b:s14+s5] =	stream.indirect_vreg.scatter [tilespmem:s3], [sflag:$0x1], $0x80, v21, vm0, $0xb8;
	[tilespmem:$0xCB00] =	vst v63  }
0x8a: {  	_ = 	snop  }
0x8b: {  	[hbm4b:s2+s5] =	stream.indirect_vreg.scatter [tilespmem:s1], [sflag:$0x1], $0x80, v20, vm0, $0xb8;
	[tilespmem:$0xCB00] =	vst v63  }
0x8c: {  	_ = 	snop  }
0x8d: {  	[hbm4b:s13+s5] =	stream.indirect_vreg.scatter [tilespmem:s4], [sflag:$0x1], $0x80, v20, vm0, $0xb8;
	[tilespmem:$0xCB00] =	vst v63  }
0x8e: {  	_ = 	snop  }
0x8f: {  	[hbm4b:s14+s5] =	stream.indirect_vreg.scatter [tilespmem:s24], [sflag:$0x1], $0x80, v20, vm0, $0xb8;
	[tilespmem:$0xCB00] =	vst v63  }
0x90: {  	_ =	swait.ge [sflag:s25], $0xC000  }
0x91: {  	[sflag:s25] =	ssyncset.done $0x0  }
0x92: {  	[sflag:s25] =	ssyncadd.s32 $0xFFFF4000  }
0x93: {  	[tilespmem:s26], [sflag:$0x2] =	stream.linear.gather [hbm4b:s15+s5], $0x40, $0x38;
	[tilespmem:$0xCB00] =	vst v63  }
0x94: {  	_ =	swait.ge [sflag:s18], $0x40  }
0x95: {  	[sflag:s18] =	ssyncset.done $0x0  }
0x96: {  	[sflag:s18] =	ssyncadd.s32 $0xFFFFFFC0  }
0x97: {  	[hbm4b:s6+s28] =	stream.indirect.scatter [tilespmem:s26], [sflag:$0x1], $0x1, s22, s28, $0xb8;
	[tilespmem:$0xCB00] =	vst v63  }
0x98: {  	_ =	swait.ge [sflag:s25], $0x40  }
0x99: {  	[sflag:s25] =	ssyncset.done $0x0  }
0x9a: {  	[sflag:s25] =	ssyncadd.s32 $0xFFFFFFC0  }
0x9b: {  	s0 =	simm.s32 @!p0 $0x0;
	s17 =	simm.s32 @!p0 $0x880;
	s30 =	rddreg [dreg:$0x5]  }
0x9c: {  	[hbm4b:s30+s0] =	stream.linear.scatter @!p0 [tilespmem:s17], [sflag:$0x2], $0x80, $0x38;
	[tilespmem:$0xCB00] =	vst v63  }
0x9d: {  	s17 =	simm.s32 @!p0 $0x2  }
0x9e: {  	s29 =	sadd.s32 $0x1, s29;
	_ =	swait.ge @!p0 [sflag:s17], $0x80  }
0x9f: {  	p1 =	sne.s32 s29, s16;
	[sflag:s17] =	ssyncset.done @!p0 $0x0  }
.Ltmp1:
0xa0: {  	s30 =	simm.s32 @!p0 $0x900;
	[sflag:s17] =	ssyncadd.s32 @!p0 $0xFFFFFF80;
	(pc) =	sbr.rel @!p1 .LBB2_6-.Ltmp1, $4  }
0xa1: {  	[hbm4b:s8+s0] =	stream.linear.scatter @!p0 [tilespmem:s30], [sflag:$0x2], $0x80, $0x38;
	[tilespmem:$0xCB00] =	vst v63  }
0xa2: {  	_ =	swait.ge @!p0 [sflag:s17], $0x80  }
0xa3: {  	[sflag:s17] =	ssyncset.done @!p0 $0x0  }
0xa4: {  	[sflag:s17] =	ssyncadd.s32 @!p0 $0xFFFFFF80  }
.LBB2_1:
0xa5: {  	s0 =	rddreg [dreg:$0x0]  }
0xa6: {  	[tilespmem:s5], [sflag:$0x2] =	stream.linear.gather [hbm4b:s0+s5], $0x800, $0x38;
	[tilespmem:$0xCB00] =	vst v63  }
0xa7: {  	_ =	swait.ge [sflag:s18], $0x800  }
0xa8: {  	[sflag:s18] =	ssyncset.done $0x0  }
.Ltmp2:
0xa9: {  	[sflag:s18] =	ssyncadd.s32 $0xFFFFF800;
	(pc) =	sbr.rel .LBB2_2-.Ltmp2, $4  }
0xaa: {  	[tilespmem:$0x880] =	vst v0  }
0xab: {  	[tilespmem:$0x890] =	vst v0  }
0xac: {  	[tilespmem:$0x8A0] =	vst v0  }
0xad: {  	s30 =	simm.s32 $0x0;
	s17 =	smov.u32 s31;
	s0 =	simm.s32 $0x0;
	[tilespmem:$0x8B0] =	vst v0  }
.LBB2_4:
0xae: {  	v23 =	vsel vm14, $0x1, v0;
	v24 =	vsel vm0, $0x1, v0  }
0xaf: {  	v51 =	vsel vm13, $0x1, v0;
	v23 =	vadd.s32 v23, v24  }
0xb0: {  	v52 =	vsel vm11, $0x1, v0;
	v23 =	vadd.s32 v51, v23  }
0xb1: {  	v53 =	vsel vm10, $0x1, v0;
	v23 =	vadd.s32 v52, v23  }
0xb2: {  	v54 =	vsel vm8, $0x1, v0;
	v23 =	vadd.s32 v53, v23  }
0xb3: {  	v55 =	vsel vm9, $0x1, v0;
	v23 =	vadd.s32 v54, v23  }
0xb4: {  	v56 =	vsel vm7, $0x1, v0;
	v23 =	vadd.s32 v55, v23  }
0xb5: {  	v57 =	vsel vm5, $0x1, v0;
	v23 =	vadd.s32 v56, v23  }
0xb6: {  	v58 =	vsel vm6, $0x1, v0;
	v23 =	vadd.s32 v57, v23  }
0xb7: {  	v59 =	vsel vm3, $0x1, v0;
	v23 =	vadd.s32 v58, v23  }
0xb8: {  	v60 =	vsel vm1, $0x1, v0;
	v23 =	vadd.s32 v59, v23  }
0xb9: {  	v61 =	vsel vm4, $0x1, v0;
	s0 =	sadd.s32 $0x1, s0;
	v23 =	vadd.s32 v60, v23  }
0xba: {  	v62 =	vsel vm2, $0x1, v0;
	p1 =	sne.s32 s0, $0x80;
	v23 =	vadd.s32 v61, v23  }
.Ltmp3:
0xbb: {  	v63 =	vsel vm15, $0x1, v0;
	v23 =	vadd.s32 v62, v23;
	(pc) =	sbr.rel @!p1 .LBB2_5-.Ltmp3, $4  }
0xbc: {  	vm15 =	veq.s32 v20, v21;
	v23 =	vadd.s32 v63, v23  }
0xbd: {  	v21 =	vsel vm15, $0x1, v0;
	v22 =	vadd.s32 v22, v23  }
0xbe: {  	v21 =	vadd.s32 v21, v22  }
0xbf: {  	s17 =	sadd.s32 $0x10, s17;
	s30 =	sadd.s32 $0x10, s30;
	[tilespmem:v20+s20+$0x0] =	vst.idx.msk $0xffff, v21  }
.LBB2_2:
0xc0: {  	v20 =	vld [tilespmem:s30+$0x0];
	_ =	sdelay $0x4  }
0xc1: {  	[tilespmem:$0x810] =	vst v20  }
0xc2: {  	v21 =	vld.idx.msk [tilespmem:v1+s19+$0x0], $0xffff  }
0xc3: {  	v22 =	vld.idx.msk [tilespmem:v2+s19+$0x0], $0xffff  }
0xc4: {  	v23 =	vld.idx.msk [tilespmem:v3+s19+$0x0], $0xffff  }
0xc5: {  	v24 =	vld.idx.msk [tilespmem:v4+s19+$0x0], $0xffff  }
0xc6: {  	v25 =	vld.idx.msk [tilespmem:v5+s19+$0x0], $0xffff  }
0xc7: {  	v26 =	vld.idx.msk [tilespmem:v6+s19+$0x0], $0xffff  }
0xc8: {  	v27 =	vld.idx.msk [tilespmem:v7+s19+$0x0], $0xffff  }
0xc9: {  	v28 =	vld.idx.msk [tilespmem:v8+s19+$0x0], $0xffff  }
0xca: {  	v29 =	vld.idx.msk [tilespmem:v9+s19+$0x0], $0xffff  }
0xcb: {  	v30 =	vld.idx.msk [tilespmem:v10+s19+$0x0], $0xffff  }
0xcc: {  	v31 =	vld.idx.msk [tilespmem:v11+s19+$0x0], $0xffff  }
0xcd: {  	v32 =	vld.idx.msk [tilespmem:v12+s19+$0x0], $0xffff  }
0xce: {  	p1 =	slt.u32 s0, s7;
	v33 =	vld.idx.msk [tilespmem:v13+s19+$0x0], $0xffff  }
0xcf: {  	p2 =	sge.u32 @!p1 s0, s9;
	v34 =	vld.idx.msk [tilespmem:v14+s19+$0x0], $0xffff  }
0xd0: {  	p1 =	por p1, p2;
	v35 =	vld.idx.msk [tilespmem:v15+s19+$0x0], $0xffff  }
.Ltmp4:
0xd1: {  	vm14 =	veq.s32 v20, v21;
	vm0 =	veq.s32 v20, v22;
	vm13 =	veq.s32 v20, v23;
	(pc) =	sbr.rel @p1 .LBB2_4-.Ltmp4, $4  }
0xd2: {  	vm11 =	veq.s32 v20, v24;
	vm10 =	veq.s32 v20, v25;
	vm8 =	veq.s32 v20, v26  }
0xd3: {  	vm9 =	veq.s32 v20, v27;
	vm7 =	veq.s32 v20, v28;
	vm5 =	veq.s32 v20, v29  }
0xd4: {  	vm6 =	veq.s32 v20, v30;
	vm3 =	veq.s32 v20, v31;
	vm1 =	veq.s32 v20, v32;
	v21 =	vld.idx.msk [tilespmem:v16+s19+$0x0], $0xffff  }
0xd5: {  	vm4 =	veq.s32 v20, v33;
	vm2 =	veq.s32 v20, v34;
	vm15 =	veq.s32 v20, v35;
	v22 =	vld.idx.msk [tilespmem:v20+s20+$0x0], $0xffff  }
0xd6: {  	v23 =	vimm.s32 $0x0  }
0xd7: {  	v23 =	vsel vm14, $0xFFFFFFFF, v23  }
0xd8: {  	[tilespmem:$0x1FFE0] =	vst v23  }
0xd9: {  	v23 =	vld [tilespmem:$0x1FFE0]  }
0xda: {  	vm12 =	vmmov vm11;
	vm11 =	vmmov vm10;
	vm10 =	vmmov vm9  }
0xdb: {  	vm9 =	vmmov vm8;
	vm8 =	vmmov vm7;
	vm7 =	vmmov vm6  }
0xdc: {  	vm6 =	vmmov vm5;
	vm5 =	vmmov vm4;
	vm4 =	vmmov vm3  }
0xdd: {  	vm3 =	vmmov vm2;
	vm2 =	vmmov vm1;
	vm1 =	vmmov vm15  }
0xde: {  	vm14 =	vmmov vm0;
	vm0 =	vcmask $0x3F04;
	vm15 =	vnez.u8 v23  }
0xdf: {  	vm15 =	vmand vm15, vm0;
	vm0 =	vcmask $0x3F08  }
0xe0: {  	vm0 =	vmand vm14, vm0;
	v23 =	vsel vm15, $0x1, v0;
	vm15 =	vmmov vm1  }
0xe1: {  	vm1 =	vmmov vm2;
	vm2 =	vmmov vm3;
	vm3 =	vmmov vm4  }
0xe2: {  	vm4 =	vmmov vm5;
	v24 =	vsel vm0, $0x1, v0;
	vm0 =	vcmask $0x3F0C  }
0xe3: {  	vm5 =	vmmov vm6;
	vm6 =	vmmov vm7;
	vm0 =	vmand vm13, vm0  }
0xe4: {  	vm7 =	vmmov vm8;
	v51 =	vsel vm0, $0x1, v0;
	vm0 =	vcmask $0x3F10  }
0xe5: {  	vm8 =	vmmov vm9;
	vm9 =	vmmov vm10;
	vm0 =	vmand vm12, vm0  }
0xe6: {  	vm10 =	vmmov vm11;
	v52 =	vsel vm0, $0x1, v0;
	vm0 =	vcmask $0x3F14  }
0xe7: {  	vm0 =	vmand vm10, vm0  }
0xe8: {  	v53 =	vsel vm0, $0x1, v0;
	vm0 =	vcmask $0x3F18  }
0xe9: {  	vm0 =	vmand vm8, vm0  }
0xea: {  	v54 =	vsel vm0, $0x1, v0;
	vm0 =	vcmask $0x3F1C  }
0xeb: {  	vm0 =	vmand vm9, vm0  }
0xec: {  	v55 =	vsel vm0, $0x1, v0;
	vm0 =	vcmask $0x3F20  }
0xed: {  	vm0 =	vmand vm7, vm0  }
0xee: {  	v56 =	vsel vm0, $0x1, v0;
	vm0 =	vcmask $0x3F24  }
0xef: {  	v23 =	vadd.s32 v23, v24;
	vm0 =	vmand vm5, vm0  }
0xf0: {  	v23 =	vadd.s32 v51, v23;
	v57 =	vsel vm0, $0x1, v0;
	vm0 =	vcmask $0x3F28  }
0xf1: {  	v23 =	vadd.s32 v52, v23;
	vm0 =	vmand vm6, vm0  }
0xf2: {  	v23 =	vadd.s32 v53, v23;
	v58 =	vsel vm0, $0x1, v0;
	vm0 =	vcmask $0x3F2C  }
0xf3: {  	v23 =	vadd.s32 v54, v23;
	vm0 =	vmand vm3, vm0  }
0xf4: {  	v23 =	vadd.s32 v55, v23;
	v59 =	vsel vm0, $0x1, v0;
	vm0 =	vcmask $0x3F30  }
0xf5: {  	v23 =	vadd.s32 v56, v23;
	vm0 =	vmand vm1, vm0  }
0xf6: {  	v23 =	vadd.s32 v57, v23;
	v60 =	vsel vm0, $0x1, v0;
	vm0 =	vcmask $0x3F34  }
0xf7: {  	v23 =	vadd.s32 v58, v23;
	vm0 =	vmand vm4, vm0  }
0xf8: {  	v23 =	vadd.s32 v59, v23;
	v61 =	vsel vm0, $0x1, v0;
	vm0 =	vcmask $0x3F38  }
0xf9: {  	v25 =	vld [tilespmem:$0x1FFE0];
	v23 =	vadd.s32 v60, v23;
	vm0 =	vmand vm2, vm0  }
.Ltmp5:
0xfa: {  	v23 =	vadd.s32 v61, v23;
	v62 =	vsel vm0, $0x1, v0;
	vm0 =	vcmask $0x3F3C;
	(pc) =	sbr.rel .LBB2_4-.Ltmp5, $4  }
0xfb: {  	v23 =	vadd.s32 v62, v23;
	vm0 =	vmand vm15, vm0  }
0xfc: {  	v63 =	vsel vm0, $0x1, v0;
	v23 =	vadd.s32 v22, v23  }
0xfd: {  	v23 =	vadd.s32 v63, v23  }
0xfe: {  	vm11 =	vmmov vm12;
	vm0 =	vmmov vm14;
	vm14 =	vnez.u8 v25;
	[tilespmem:s17+$0x0] =	vst v23  }
.LBB2_6:
0xff: {  	_ =	sfence.sel $0x180000  }
0x100: {  	[bflag:$0x0] =	sbarrier.arrive $0xFFFF  }
0x101: {  	_ =	strace $0x90000047  }
0x102: {  	s0 =	stileid.u32;
	[bflag:$0x2] =	sbarrier.arrive $0xFFFF  }
0x103: {  	p0 =	sne.s32 s0, $0x0;
	s0 =	rddreg [dreg:$0x6]  }
0x104: {  	s0 =	sadd.s32 @!p0 $0x100000, s0  }
0x105: {  	[sflag:s0] =	ssyncadd.tile.s32 @!p0 $0x1;
	_ =	shalt  }
.Lfunc_end2:
_tile_overlayer_lowered:
.L_overlay_start_2:
0x106: {  	(tag) =	ssettag $0x2  }
0x107: {  	s0 =	rddreg [dreg:$0x0];
	s2 =	stileid.u32  }
0x108: {  	s1 =	rddreg [dreg:$0x1];
	p0 =	sne.s32 s2, $0x0  }
0x109: {  	s3 =	rddreg [dreg:$0x2];
	[bflag:$0x3] =	sbarrier.arrive $0xFFFF;
	s2 =	simm.s32 @!p0 $0x1C02  }
0x10a: {  	[timem:s3], [sflag:s2] =	dma.local @!p0 [hbm:s0], s1  }
0x10b: {  	s0 =	simm.s32 @!p0 $0x2  }
0x10c: {  	_ =	swait.ge @!p0 [sflag:s0], s1  }
0x10d: {  	s1 =	ssub.s32 @!p0 $0x0, s1;
	[sflag:s0] =	ssyncset.done @!p0 $0x0  }
0x10e: {  	[sflag:s0] =	ssyncadd.s32 @!p0 s1  }
0x10f: {  	[bflag:$0x3] =	sbarrier.arrive $0xFFFF  }
0x110: {  	_ =	shalt  }

// kernel: kernel.8.cloned.1.call-start
scs
__scs_entry_jumppad:
0x0: {  	(pc) =	sbr.rel $0x88, $3  }
0x1: {  	(tag) =	ssettag $0x0;
	lr =	simm.s32 $0x1  }
0x2: {  	[smem:$0x3F9C] =	sst lr;
	_ =	strace $0xD0000000  }
0x3: {  	_ = 	snop  }
0x4: {  	_ = 	snop  }
0x5: {  	_ = 	snop  }
0x6: {  	_ = 	snop  }
0x7: {  	_ = 	snop  }
__scs_overlays_trampoline_lowered:
0x8: {  	[smem:$0x3FAB] =	sst s0  }
0x9: {  	[smem:$0x3FAC] =	sst s1  }
0xa: {  	[smem:$0x3FAD] =	sst s2  }
0xb: {  	[smem:$0x3FAE] =	sst s3  }
0xc: {  	[smem:$0x3FAF] =	sst s4  }
0xd: {  	[smem:$0x3FB0] =	sst s5  }
0xe: {  	[smem:$0x3FB1] =	sst s6  }
0xf: {  	[smem:$0x3FB2] =	sst s7  }
0x10: {  	[smem:$0x3FB3] =	sst s8  }
0x11: {  	[smem:$0x3FB4] =	sst s9;
	s0 =	simm.s32 @!p0 $0x0  }
0x12: {  	s1 =	sld [smem:$0x3F9A];
	s0 =	simm.s32 @p0 $0x1  }
0x13: {  	[smem:$0x3FB5] =	sst s0;
	s0 =	simm.s32 @!p1 $0x0  }
0x14: {  	s2 =	sld [smem:$0x3F99];
	s0 =	simm.s32 @p1 $0x1  }
0x15: {  	[smem:$0x3FB6] =	sst s0;
	s0 =	simm.s32 @!p2 $0x0  }
0x16: {  	s3 =	sld [smem:$0x3FDB];
	s0 =	simm.s32 @p2 $0x1  }
0x17: {  	s4 =	simm.s32 $0x1BF5;
	[smem:$0x3FB8] =	sst s0  }
0x18: {  	s0 =	sld [smem:$0x3F9B];
	_ =	swait.ge [sflag:s4], $0x0  }
0x19: {  	s7 =	sld [smem:$0x3F9C]  }
0x1a: {  	s8 =	sadd.s32 $0xFFFFE003, lr  }
0x1b: {  	s9 =	sadd.s32 $0xFFFFFEF7, lr;
	s5 =	simm.s32 $0xFFFFFFFF;
	p2 =	slt.u32 s8, $0xFFFFF086  }
0x1c: {  	p1 =	slt.u32 s9, $0xF7A;
	s5 =	simm.s32 @!p2 $0x0  }
0x1d: {  	s5 =	simm.s32 @p1 $0x1;
	p0 =	seq.s32 s7, s2  }
0x1e: {  	s7 =	smul.u32 @!p0 $0xF7A, s2;
	p2 =	seq.s32 @!p0 s5, $0x0  }
0x1f: {  	s9 =	smul.u32 $0xF7A, s1;
	s8 =	simm.s32 @!p0 $0x1BF5;
	p2 =	por !p2, p0  }
0x20: {  	[sflag:s8] =	ssyncset.s32 @!p0 $0xFFFFF086;
	s6 =	sadd.s32 @!p0 s3, s7;
	s7 =	simm.s32 @!p0 $0x108  }
0x21: {  	s3 =	sadd.s32 s3, s9;
	s6 =	sadd.s32 @!p0 $0x88, s6;
	s7 =	simm.s32 @p2 $0x1082  }
0x22: {  	[simem:s7], [sflag:s8] =	dma.local @!p0 [hbm:s6], $0xF7A  }
0x23: {  	s9 =	sor.u32 $0xD0000000, s2;
	s6 =	simm.s32 $0x108;
	_ =	swait.ge @!p0 [sflag:s8], $0x0  }
0x24: {  	s3 =	sadd.s32 $0x88, s3;
	s6 =	simm.s32 @!p1 $0x1082;
	[sflag:s4] =	ssyncset.s32 $0xFFFFF086  }
0x25: {  	[simem:s6], [sflag:s4] =	dma.local [hbm:s3], $0xF7A  }
0x26: {  	[smem:$0x3F9C] =	sst s1;
	(tag) =	ssettag s2;
	_ =	strace s9  }
0x27: {  	s1 =	sld [smem:$0x3FAC]  }
0x28: {  	s2 =	sld [smem:$0x3FAD]  }
0x29: {  	s4 =	sld [smem:$0x3FAF]  }
0x2a: {  	p0 =	seq.s32 s5, $0x0;
	s5 =	sld [smem:$0x3FB0]  }
0x2b: {  	s6 =	sld [smem:$0x3FB1]  }
0x2c: {  	s7 =	sld [smem:$0x3FB2]  }
0x2d: {  	s3 =	simm.s32 $0x108;
	s8 =	sld [smem:$0x3FB3]  }
0x2e: {  	s3 =	simm.s32 @!p0 $0x1082;
	s9 =	sld [smem:$0x3FB4]  }
0x2f: {  	lr =	sadd.s32 s0, s3;
	s0 =	sld [smem:$0x3FAB]  }
0x30: {  	s3 =	sld [smem:$0x3FAE]  }
0x31: {  	[smem:$0x3FB7] =	sst s10  }
0x32: {  	s10 =	sld [smem:$0x3FB5];
	_ =	sdelay $0x3  }
0x33: {  	p0 =	seq.s32 s10, $0x1;
	s10 =	sld [smem:$0x3FB7];
	_ =	sdelay $0x3  }
0x34: {  	[smem:$0x3FB7] =	sst s10  }
0x35: {  	s10 =	sld [smem:$0x3FB6];
	_ =	sdelay $0x3  }
0x36: {  	p1 =	seq.s32 s10, $0x1;
	s10 =	sld [smem:$0x3FB7];
	_ =	sdelay $0x3  }
0x37: {  	[smem:$0x3FB7] =	sst s10  }
0x38: {  	s10 =	sld [smem:$0x3FB8]  }
0x39: {  	_ = 	snop;
	(pc) =	sbr.ind lr, $3  }
0x3a: {  	_ = 	snop  }
0x3b: {  	_ = 	snop  }
0x3c: {  	p2 =	seq.s32 s10, $0x1;
	s10 =	sld [smem:$0x3FB7]  }
0x3d: {  	_ =	shalt  }
0x3e: {  	_ =	shalt  }
0x3f: {  	_ =	shalt  }
0x40: {  	_ =	shalt  }
0x41: {  	_ =	shalt  }
0x42: {  	_ =	shalt  }
0x43: {  	_ =	shalt  }
0x44: {  	_ =	shalt  }
0x45: {  	_ =	shalt  }
0x46: {  	_ =	shalt  }
0x47: {  	_ =	shalt  }
0x48: {  	_ =	shalt  }
0x49: {  	_ =	shalt  }
0x4a: {  	_ =	shalt  }
0x4b: {  	_ =	shalt  }
0x4c: {  	_ =	shalt  }
0x4d: {  	_ =	shalt  }
0x4e: {  	_ =	shalt  }
0x4f: {  	_ =	shalt  }
0x50: {  	_ =	shalt  }
0x51: {  	_ =	shalt  }
0x52: {  	_ =	shalt  }
0x53: {  	_ =	shalt  }
0x54: {  	_ =	shalt  }
0x55: {  	_ =	shalt  }
0x56: {  	_ =	shalt  }
0x57: {  	_ =	shalt  }
0x58: {  	_ =	shalt  }
0x59: {  	_ =	shalt  }
0x5a: {  	_ =	shalt  }
0x5b: {  	_ =	shalt  }
0x5c: {  	_ =	shalt  }
0x5d: {  	_ =	shalt  }
0x5e: {  	_ =	shalt  }
0x5f: {  	_ =	shalt  }
0x60: {  	_ =	shalt  }
0x61: {  	_ =	shalt  }
0x62: {  	_ =	shalt  }
0x63: {  	_ =	shalt  }
0x64: {  	_ =	shalt  }
0x65: {  	_ =	shalt  }
0x66: {  	_ =	shalt  }
0x67: {  	_ =	shalt  }
0x68: {  	_ =	shalt  }
0x69: {  	_ =	shalt  }
0x6a: {  	_ =	shalt  }
0x6b: {  	_ =	shalt  }
0x6c: {  	_ =	shalt  }
0x6d: {  	_ =	shalt  }
0x6e: {  	_ =	shalt  }
0x6f: {  	_ =	shalt  }
0x70: {  	_ =	shalt  }
0x71: {  	_ =	shalt  }
0x72: {  	_ =	shalt  }
0x73: {  	_ =	shalt  }
0x74: {  	_ =	shalt  }
0x75: {  	_ =	shalt  }
0x76: {  	_ =	shalt  }
0x77: {  	_ =	shalt  }
0x78: {  	_ =	shalt  }
0x79: {  	_ =	shalt  }
0x7a: {  	_ =	shalt  }
0x7b: {  	_ =	shalt  }
0x7c: {  	_ =	shalt  }
0x7d: {  	_ =	shalt  }
0x7e: {  	_ =	shalt  }
0x7f: {  	_ =	shalt  }
0x80: {  	_ =	shalt  }
0x81: {  	_ =	shalt  }
0x82: {  	_ =	shalt  }
0x83: {  	_ =	shalt  }
0x84: {  	_ =	shalt  }
0x85: {  	_ =	shalt  }
0x86: {  	_ =	shalt  }
0x87: {  	_ =	shalt  }
.Lfunc_end0:
.L_simem_size_0:
called_computation.1_lowered:
.L_overlay_start_0:
0x88: {  	s2 =	sld [smem:$0x3FD9]  }
0x89: {  	s3 =	sld [smem:$0x3FFE];
	_ =	sdelay $0x1  }
0x8a: {  	s1 =	srdreg.scid  }
0x8b: {  	s0 =	sand.u32 $0x1, s1  }
0x8c: {  	s14 =	sshll.u32 s0, $0xA;
	s2 =	sadd.s32 s3, s2  }
0x8d: {  	s2 =	sadd.s32 s2, s14  }
0x8e: {  	[smem:$0x3FC3] =	sst s2  }
0x8f: {  	_ = 	snop  }
0x90: {  	s2 =	sld [smem:$0x3FD0];
	_ =	sdelay $0x2  }
0x91: {  	s15 =	simm.s32 $0xA;
	s4 =	simm.s32 $0x10  }
0x92: {  	[smem:s4], [sflag:s15] =	dma.local [hbm:s2], $0x1  }
0x93: {  	_ =	swait.eq [sflag:s15], $0x1  }
0x94: {  	[sflag:s15] =	ssyncset.done $0x0  }
0x95: {  	[sflag:s15] =	ssyncadd.s32 $0xFFFFFFFF  }
0x96: {  	s16 =	sld [smem:$0x10];
	(tm) =	ssettm $0x1  }
0x97: {  	s17 =	sld [smem:$0x3FFB];
	_ =	sdelay $0x3  }
0x98: {  	_ =	strace s17  }
0x99: {  	s3 =	sld [smem:$0x3FFC];
	_ =	sdelay $0x3  }
0x9a: {  	_ =	strace s3  }
0x9b: {  	s3 =	sld [smem:$0x3FFD];
	_ =	sdelay $0x3  }
0x9c: {  	_ =	strace s3  }
0x9d: {  	_ =	strace $0x8FFFFFFF  }
0x9e: {  	s18 =	sld [smem:$0x3FDB];
	_ =	sdelay $0x1  }
0x9f: {  	s19 =	simm.s32 $_scs_section_size  }
0xa0: {  	s5 =	simm.s32 $_size__tile_overlayer_lowered;
	s6 =	simm.s32 $_tile_overlayer_lowered  }
0xa1: {  	s22 =	simm.s32 $0x1BFF;
	s21 =	sshll.u32 s6, $0x1;
	s3 =	sadd.s32 s19, s18  }
0xa2: {  	s7 =	simm.s32 $0x0;
	s20 =	sshll.u32 s5, $0x1;
	s5 =	sadd.s32 s21, s3  }
0xa3: {  	[timem:s7], [sflag:s22] =	dma.local [hbm:s5], s20  }
0xa4: {  	_ =	swait.ge [sflag:s22], s20  }
0xa5: {  	s4 =	ssub.s32 $0x0, s20;
	[sflag:s22] =	ssyncset.done $0x0  }
0xa6: {  	[sflag:s22] =	ssyncadd.s32 s4;
	_ =	sdelay $0x1  }
0xa7: {  	s23 =	simm.s32 $0x1B8B  }
0xa8: {  	_ =	swait.ge [sflag:s23], $0x1  }
0xa9: {  	[sflag:s23] =	ssyncset.done $0x0  }
0xaa: {  	s25 =	simm.s32 $0x1B8E;
	s24 =	sld [smem:$0x3FFE];
	[sflag:s23] =	ssyncadd.s32 $0xFFFFFFFF  }
0xab: {  	s26 =	simm.s32 $execute0_lowered;
	[smem:$0x3FD2] =	sst s25  }
0xac: {  	s5 =	sshll.u32 s26, $0x1;
	_ =	strace $0x80000049;
	[dreg:$0x1] =	wrdreg $0xFFFFFFFF  }
0xad: {  	s28 =	simm.s32 $_size_execute0_lowered;
	s3 =	sadd.s32 s3, s5;
	[dreg:$0x0] =	wrdreg $0x0  }
0xae: {  	s5 =	sshll.u32 s28, $0x1;
	[dreg:$0x2] =	wrdreg s3  }
0xaf: {  	[dreg:$0x3] =	wrdreg s5  }
0xb0: {  	[dreg:$0x4] =	wrdreg $0xC0  }
0xb1: {  	_ =	task [dreg:s7], $0x5FFFF  }
0xb2: {  	[dreg:$0x1] =	wrdreg $0xFFFFFFFF  }
0xb3: {  	[dreg:$0x0] =	wrdreg $0x60  }
0xb4: {  	[dreg:$0x2] =	wrdreg s24  }
0xb5: {  	[dreg:$0x3] =	wrdreg s16  }
0xb6: {  	[dreg:$0x4] =	wrdreg $0x9  }
0xb7: {  	_ =	task.clear_ibuf [dreg:s7], $0x5FFFF;
	_ =	strace $0x90000049  }
0xb8: {  	s29 =	simm.s32 $0x9;
	_ =	strace $0x8000004B  }
0xb9: {  	_ =	swait.ge [sflag:s29], $0x1  }
0xba: {  	[sflag:s29] =	ssyncadd.s32 $0xFFFFFFFF  }
0xbb: {  	_ =	strace $0x9000004B  }
0xbc: {  	_ =	sfence  }
0xbd: {  	s30 =	sld [smem:$0x0];
	_ =	sdelay $0x2  }
0xbe: {  	s31 =	sshll.u32 s1, $0xD;
	s1 =	sshrl.u32 s1, $0x2  }
0xbf: {  	s3 =	sand.u32 $0x4000, s31;
	s1 =	sadd.s32 s1, s30  }
0xc0: {  	s0 =	sor.u32 s3, s0;
	s1 =	sshll.u32 s1, $0x11  }
0xc1: {  	s0 =	sor.u32 s1, s0  }
0xc2: {  	s0 =	sadd.s32 $0x8F2B, s0  }
0xc3: {  	[sflag:s0] =	ssyncadd.remote.s32 $0x1  }
0xc4: {  	_ =	sfence.sel $0xFFFF  }
0xc5: {  	[dreg:$0x0] =	wrdreg $0xFFFFFFFF;
	(pc) =	sbr.abs _section_cstart, $3  }
0xc6: {  	[dreg:$0x1] =	wrdreg $0xFFFFFFFF  }
0xc7: {  	_ =	task.clear_ibuf [dreg:s7], $0x2FFFF;
	_ =	strace $0x9FFFFFFF  }
0xc8: {  	(tm) =	ssettm $0x7FFFFFFF  }
0xc9: {  	_ =	shalt  }
tec
execute0_lowered:
.L_overlay_start_1:
0x0: {  	(tag) =	ssettag $0x1  }
0x1: {  	s0 =	rddreg [dreg:$0x0]  }
0x2: {  	s5 =	rddreg [dreg:$0x1];
	s3 =	srdreg.scid  }
0x3: {  	s2 =	simm.s32 $0x0;
	s1 =	stileid.u32;
	s26 =	simm.s32 $0x880  }
0x4: {  	s10 =	simm.s32 $0x1880;
	s11 =	simm.s32 $0x2080;
	s12 =	simm.s32 $0x2880  }
0x5: {  	s13 =	simm.s32 $0x3080;
	s14 =	simm.s32 $0x3880;
	s15 =	simm.s32 $0x4080  }
0x6: {  	s16 =	simm.s32 $0x4880;
	s17 =	simm.s32 $0x5080;
	s18 =	simm.s32 $0x5880  }
0x7: {  	s19 =	simm.s32 $0x6080;
	s20 =	simm.s32 $0x6880;
	s21 =	simm.s32 $0x7080  }
0x8: {  	s22 =	simm.s32 $0x7880;
	s28 =	simm.s32 $0xA080;
	s29 =	simm.s32 $0xA880  }
0x9: {  	s30 =	simm.s32 $0xB080;
	s31 =	simm.s32 $0xB880;
	s3 =	sand.u32 $0x1, s3  }
0xa: {  	[smem:$0x7FF] =	sst s2;
	s4 =	sshll.u32 s1, $0x4;
	s6 =	sshll.u32 s3, $0x3  }
0xb: {  	_ =	strace $0x8000004A;
	s23 =	ssub.s32 $0x2, s3;
	s3 =	sadd.s32 $0x1A00, s0  }
0xc: {  	[dreg:$0x5] =	wrdreg s26;
	s26 =	simm.s32 $0x9880;
	s4 =	sor.u32 s6, s4  }
0xd: {  	s8 =	sshrl.u32 s23, $0x1;
	s7 =	sadd.s32 s4, s0;
	s9 =	smul.u32 $0x300, s4  }
0xe: {  	s6 =	ssub.s32 s23, s8;
	s4 =	sadd.s32 $0x1B00, s0;
	s8 =	simm.s32 $0x80  }
0xf: {  	s23 =	simm.s32 $0x8080;
	s24 =	sadd.s32 $0x1800, s7;
	s6 =	smax.u32 s6, $0x1  }
0x10: {  	v2 =	vlaneseq.u32;
	s7 =	simm.s32 $0x2;
	[dreg:$0x3] =	wrdreg s24;
	s25 =	sadd.s32 s5, s9  }
0x11: {  	vm0 =	vmmov $0xffff;
	v1 =	vshrl.u32 v2, $0x3;
	s5 =	sadd.s32 $0x1C00, s0;
	s9 =	simm.s32 $0x1080;
	s24 =	simm.s32 $0x8880  }
0x12: {  	v0 =	vand.u32 $0x7, v2;
	v2 =	vor.u32 $0x8, v2;
	v1 =	vmul.u32 $0x8, v1;
	s0 =	simm.s32 $0x1;
	[dreg:$0x4] =	wrdreg s25;
	s25 =	simm.s32 $0x9080  }
.LBB2_1:
0x13: {  	s1 =	rddreg [dreg:$0x3]  }
0x14: {  	[tilespmem:s2], [sflag:$0x2] =	stream.linear.gather [hbm4b:s1+s2], $0x40, $0x38;
	[tilespmem:$0xC080] =	vst v63  }
0x15: {  	_ =	swait.ge [sflag:s7], $0x40  }
0x16: {  	[sflag:s7] =	ssyncset.done $0x0  }
0x17: {  	[sflag:s7] =	ssyncadd.s32 $0xFFFFFFC0  }
0x18: {  	v3 =	vld [tilespmem:$0x0];
	_ =	sdelay $0x4  }
0x19: {  	v4 =	vshrl.u32 v3, $0x3  }
0x1a: {  	v4 =	vmul.u32 $0x30, v4  }
0x1b: {  	v3 =	vand.u32 $0x7, v3  }
0x1c: {  	v3 =	vor.u32 v3, v4  }
0x1d: {  	v4 =	vperm.xlane v3, v0;
	_ =	sdelay $0x1  }
0x1e: {  	v4 =	vadd.s32 v1, v4;
	_ =	sdelay $0x3  }
0x1f: {  	v3 =	vperm.xlane v3, v2  }
0x20: {  	[tilespmem:s8], [sflag:$0x1] =	stream.indirect_vreg.gather [hbm4b:s3+s2], $0x80, v4, vm0, $0xb8;
	[tilespmem:$0xC080] =	vst v63  }
0x21: {  	s1 =	rddreg [dreg:$0x5];
	v3 =	vadd.s32 v1, v3  }
0x22: {  	[tilespmem:s1], [sflag:$0x1] =	stream.indirect_vreg.gather [hbm4b:s4+s2], $0x80, v4, vm0, $0xb8;
	[tilespmem:$0xC080] =	vst v63  }
0x23: {  	_ = 	snop  }
0x24: {  	[tilespmem:s9], [sflag:$0x1] =	stream.indirect_vreg.gather [hbm4b:s5+s2], $0x80, v4, vm0, $0xb8;
	[tilespmem:$0xC080] =	vst v63  }
0x25: {  	_ = 	snop  }
0x26: {  	[tilespmem:s10], [sflag:$0x1] =	stream.indirect_vreg.gather [hbm4b:s3+s2], $0x80, v3, vm0, $0xb8;
	[tilespmem:$0xC080] =	vst v63  }
0x27: {  	_ = 	snop  }
0x28: {  	[tilespmem:s11], [sflag:$0x1] =	stream.indirect_vreg.gather [hbm4b:s4+s2], $0x80, v3, vm0, $0xb8;
	[tilespmem:$0xC080] =	vst v63  }
0x29: {  	_ = 	snop  }
0x2a: {  	[tilespmem:s12], [sflag:$0x1] =	stream.indirect_vreg.gather [hbm4b:s5+s2], $0x80, v3, vm0, $0xb8;
	[tilespmem:$0xC080] =	vst v63  }
0x2b: {  	v3 =	vld [tilespmem:$0x10];
	_ =	sdelay $0x4  }
0x2c: {  	v61 =	vshrl.u32 v3, $0x3  }
0x2d: {  	v4 =	vmul.u32 $0x30, v61  }
0x2e: {  	v3 =	vand.u32 $0x7, v3  }
0x2f: {  	v3 =	vor.u32 v3, v4  }
0x30: {  	v4 =	vperm.xlane v3, v0;
	_ =	sdelay $0x1  }
0x31: {  	v4 =	vadd.s32 v1, v4;
	_ =	sdelay $0x3  }
0x32: {  	v3 =	vperm.xlane v3, v2  }
0x33: {  	[tilespmem:s13], [sflag:$0x1] =	stream.indirect_vreg.gather [hbm4b:s3+s2], $0x80, v4, vm0, $0xb8;
	[tilespmem:$0xC080] =	vst v63  }
0x34: {  	v3 =	vadd.s32 v1, v3  }
0x35: {  	[tilespmem:s14], [sflag:$0x1] =	stream.indirect_vreg.gather [hbm4b:s4+s2], $0x80, v4, vm0, $0xb8;
	[tilespmem:$0xC080] =	vst v63  }
0x36: {  	_ = 	snop  }
0x37: {  	[tilespmem:s15], [sflag:$0x1] =	stream.indirect_vreg.gather [hbm4b:s5+s2], $0x80, v4, vm0, $0xb8;
	[tilespmem:$0xC080] =	vst v63  }
0x38: {  	_ = 	snop  }
0x39: {  	[tilespmem:s16], [sflag:$0x1] =	stream.indirect_vreg.gather [hbm4b:s3+s2], $0x80, v3, vm0, $0xb8;
	[tilespmem:$0xC080] =	vst v63  }
0x3a: {  	_ = 	snop  }
0x3b: {  	[tilespmem:s17], [sflag:$0x1] =	stream.indirect_vreg.gather [hbm4b:s4+s2], $0x80, v3, vm0, $0xb8;
	[tilespmem:$0xC080] =	vst v63  }
0x3c: {  	_ = 	snop  }
0x3d: {  	[tilespmem:s18], [sflag:$0x1] =	stream.indirect_vreg.gather [hbm4b:s5+s2], $0x80, v3, vm0, $0xb8;
	[tilespmem:$0xC080] =	vst v63  }
0x3e: {  	v3 =	vld [tilespmem:$0x20];
	_ =	sdelay $0x4  }
0x3f: {  	v62 =	vshrl.u32 v3, $0x3  }
0x40: {  	v4 =	vmul.u32 $0x30, v62  }
0x41: {  	v3 =	vand.u32 $0x7, v3  }
0x42: {  	v3 =	vor.u32 v3, v4  }
0x43: {  	v4 =	vperm.xlane v3, v0;
	_ =	sdelay $0x1  }
0x44: {  	v4 =	vadd.s32 v1, v4;
	_ =	sdelay $0x3  }
0x45: {  	v3 =	vperm.xlane v3, v2  }
0x46: {  	[tilespmem:s19], [sflag:$0x1] =	stream.indirect_vreg.gather [hbm4b:s3+s2], $0x80, v4, vm0, $0xb8;
	[tilespmem:$0xC080] =	vst v63  }
0x47: {  	v3 =	vadd.s32 v1, v3  }
0x48: {  	[tilespmem:s20], [sflag:$0x1] =	stream.indirect_vreg.gather [hbm4b:s4+s2], $0x80, v4, vm0, $0xb8;
	[tilespmem:$0xC080] =	vst v63  }
0x49: {  	_ = 	snop  }
0x4a: {  	[tilespmem:s21], [sflag:$0x1] =	stream.indirect_vreg.gather [hbm4b:s5+s2], $0x80, v4, vm0, $0xb8;
	[tilespmem:$0xC080] =	vst v63  }
0x4b: {  	_ = 	snop  }
0x4c: {  	[tilespmem:s22], [sflag:$0x1] =	stream.indirect_vreg.gather [hbm4b:s3+s2], $0x80, v3, vm0, $0xb8;
	[tilespmem:$0xC080] =	vst v63  }
0x4d: {  	_ = 	snop  }
0x4e: {  	[tilespmem:s23], [sflag:$0x1] =	stream.indirect_vreg.gather [hbm4b:s4+s2], $0x80, v3, vm0, $0xb8;
	[tilespmem:$0xC080] =	vst v63  }
0x4f: {  	_ = 	snop  }
0x50: {  	[tilespmem:s24], [sflag:$0x1] =	stream.indirect_vreg.gather [hbm4b:s5+s2], $0x80, v3, vm0, $0xb8;
	[tilespmem:$0xC080] =	vst v63  }
0x51: {  	v3 =	vld [tilespmem:$0x30];
	_ =	sdelay $0x4  }
0x52: {  	v63 =	vshrl.u32 v3, $0x3  }
0x53: {  	v4 =	vmul.u32 $0x30, v63  }
0x54: {  	v3 =	vand.u32 $0x7, v3  }
0x55: {  	v3 =	vor.u32 v3, v4  }
0x56: {  	v4 =	vperm.xlane v3, v0;
	_ =	sdelay $0x1  }
0x57: {  	v4 =	vadd.s32 v1, v4;
	_ =	sdelay $0x3  }
0x58: {  	v3 =	vperm.xlane v3, v2  }
0x59: {  	[tilespmem:s25], [sflag:$0x1] =	stream.indirect_vreg.gather [hbm4b:s3+s2], $0x80, v4, vm0, $0xb8;
	[tilespmem:$0xC080] =	vst v63  }
0x5a: {  	v3 =	vadd.s32 v1, v3  }
0x5b: {  	[tilespmem:s26], [sflag:$0x1] =	stream.indirect_vreg.gather [hbm4b:s4+s2], $0x80, v4, vm0, $0xb8;
	[tilespmem:$0xC080] =	vst v63  }
0x5c: {  	_ = 	snop  }
0x5d: {  	[tilespmem:s28], [sflag:$0x1] =	stream.indirect_vreg.gather [hbm4b:s5+s2], $0x80, v4, vm0, $0xb8;
	[tilespmem:$0xC080] =	vst v63  }
0x5e: {  	_ = 	snop  }
0x5f: {  	[tilespmem:s29], [sflag:$0x1] =	stream.indirect_vreg.gather [hbm4b:s3+s2], $0x80, v3, vm0, $0xb8;
	[tilespmem:$0xC080] =	vst v63  }
0x60: {  	_ = 	snop  }
0x61: {  	[tilespmem:s30], [sflag:$0x1] =	stream.indirect_vreg.gather [hbm4b:s4+s2], $0x80, v3, vm0, $0xb8;
	[tilespmem:$0xC080] =	vst v63  }
0x62: {  	_ = 	snop  }
0x63: {  	[tilespmem:s31], [sflag:$0x1] =	stream.indirect_vreg.gather [hbm4b:s5+s2], $0x80, v3, vm0, $0xb8;
	[tilespmem:$0xC080] =	vst v63  }
0x64: {  	_ =	swait.ge [sflag:s0], $0xC000  }
0x65: {  	p0 =	sne.s32 s6, $0x1;
	[sflag:s0] =	ssyncset.done $0x0  }
.Ltmp0:
0x66: {  	s1 =	rddreg [dreg:$0x4];
	[sflag:s0] =	ssyncadd.s32 $0xFFFF4000;
	(pc) =	sbr.rel @p0 .LBB2_1-.Ltmp0, $4  }
0x67: {  	[hbm4b:s1+s2] =	stream.linear.scatter [tilespmem:s8], [sflag:$0x2], $0xC000, $0x38;
	[tilespmem:$0xC080] =	vst v63  }
0x68: {  	_ =	swait.ge [sflag:s7], $0xC000  }
0x69: {  	[sflag:s7] =	ssyncset.done $0x0  }
0x6a: {  	s6 =	sadd.s32 $0xFFFFFFFF, s6;
	[sflag:s7] =	ssyncadd.s32 $0xFFFF4000  }
0x6b: {  	_ =	sfence.sel $0x180000  }
0x6c: {  	[bflag:$0x0] =	sbarrier.arrive $0xFFFF  }
0x6d: {  	_ =	strace $0x9000004A  }
0x6e: {  	s0 =	stileid.u32;
	[bflag:$0x2] =	sbarrier.arrive $0xFFFF  }
0x6f: {  	p0 =	sne.s32 s0, $0x0;
	s0 =	rddreg [dreg:$0x2]  }
0x70: {  	s0 =	sadd.s32 @!p0 $0x100000, s0  }
0x71: {  	[sflag:s0] =	ssyncadd.tile.s32 @!p0 $0x1;
	_ =	shalt  }
.Lfunc_end2:
_tile_overlayer_lowered:
.L_overlay_start_2:
0x72: {  	(tag) =	ssettag $0x2  }
0x73: {  	s0 =	rddreg [dreg:$0x0];
	s2 =	stileid.u32  }
0x74: {  	s1 =	rddreg [dreg:$0x1];
	p0 =	sne.s32 s2, $0x0  }
0x75: {  	s3 =	rddreg [dreg:$0x2];
	[bflag:$0x3] =	sbarrier.arrive $0xFFFF;
	s2 =	simm.s32 @!p0 $0x1C02  }
0x76: {  	[timem:s3], [sflag:s2] =	dma.local @!p0 [hbm:s0], s1  }
0x77: {  	s0 =	simm.s32 @!p0 $0x2  }
0x78: {  	_ =	swait.ge @!p0 [sflag:s0], s1  }
0x79: {  	s1 =	ssub.s32 @!p0 $0x0, s1;
	[sflag:s0] =	ssyncset.done @!p0 $0x0  }
0x7a: {  	[sflag:s0] =	ssyncadd.s32 @!p0 s1  }
0x7b: {  	[bflag:$0x3] =	sbarrier.arrive $0xFFFF  }
0x7c: {  	_ =	shalt  }

</sc_bundles>
